<compile_context>
chip_gen: v7x
topology: tpu7x:2x2x1
jax: 0.10.2.dev20260603
libtpu: 0.0.44.dev20260713+nightly
codegen_flags: <defaults>
</compile_context>

<pallas_src>
import functools

import jax
import jax.numpy as jnp
from jax import lax
from jax.experimental import pallas as pl
from jax.experimental.pallas import tpu as pltpu
from jax.experimental.pallas import tpu_sc as plsc

_E = 8
_D = 1024
_TM = 512
_TR = 512


def _router_body(x_ref, wr_ref, br_ref, packed_ref, off_ref, run_sc):
    i = pl.program_id(0)

    @pl.when(i == 0)
    def _init():
        run_sc[...] = jnp.zeros_like(run_sc)

    x = x_ref[...]
    logits = jnp.dot(x, wr_ref[...], preferred_element_type=jnp.float32)
    logits = logits + br_ref[...]

    best = logits[:, 0:1]
    besti = jnp.zeros((_TR, 1), jnp.int32)
    for e in range(1, _E):
        c = logits[:, e : e + 1] > best
        best = jnp.where(c, logits[:, e : e + 1], best)
        besti = jnp.where(c, e, besti)

    eids = lax.broadcasted_iota(jnp.int32, (_TR, _E), 1)
    a = (besti == eids).astype(jnp.float32)

    cum = a
    shift = 1
    while shift < _TR:
        cum = cum + jnp.concatenate(
            [jnp.zeros((shift, _E), jnp.float32), cum[: _TR - shift]], axis=0
        )
        shift *= 2

    rank = jnp.sum(a * (run_sc[...] + cum - a), axis=1, keepdims=True)
    t_total = pl.num_programs(0) * _TR
    packed_ref[...] = besti * t_total + rank.astype(jnp.int32)

    run_sc[...] = run_sc[...] + cum[_TR - 1 :, :]

    counts = run_sc[...]
    offs = [jnp.zeros((1, 1), jnp.float32)]
    for e in range(1, _E):
        offs.append(offs[-1] + counts[:, e - 1 : e])
    off = jnp.concatenate(offs, axis=1)
    off_pad = jnp.concatenate(
        [off, off[:, _E - 1 :] + counts[:, _E - 1 :]]
        + [jnp.zeros((1, 1), jnp.float32)] * (16 - _E - 1),
        axis=1,
    )
    off_ref[...] = off_pad.astype(jnp.int32)


def _run_router(t):
    n = t // _TR
    return pl.pallas_call(
        _router_body,
        grid=(n,),
        in_specs=[
            pl.BlockSpec((_TR, _D), lambda i: (i, 0)),
            pl.BlockSpec((_D, _E), lambda i: (0, 0)),
            pl.BlockSpec((1, _E), lambda i: (0, 0)),
        ],
        out_specs=(
            pl.BlockSpec((_TR, 1), lambda i: (i, 0)),
            pl.BlockSpec((1, 16), lambda i: (0, 0)),
        ),
        out_shape=(
            jax.ShapeDtypeStruct((t, 1), jnp.int32),
            jax.ShapeDtypeStruct((1, 16), jnp.int32),
        ),
        scratch_shapes=[pltpu.VMEM((1, _E), jnp.float32)],
        compiler_params=pltpu.CompilerParams(
            dimension_semantics=("arbitrary",),
        ),
    )


def _expert_body(tile_ref, exp_ref, off_ref, x_ref,
                 w1_ref, b1_ref, g1_ref, be1_ref,
                 w2_ref, b2_ref, g2_ref, be2_ref, out_ref):
    g = pl.program_id(0)
    i = tile_ref[g]
    e = exp_ref[g]
    srow = i * _TM + lax.broadcasted_iota(jnp.int32, (_TM, 1), 0)
    mask = (srow >= off_ref[e]) & (srow < off_ref[e + 1])

    def layer(h, w_ref, b_ref, g_ref, be_ref):
        y = jnp.dot(h, w_ref[0], preferred_element_type=jnp.float32)
        u = jax.nn.relu(y + b_ref[0])
        mu = jnp.mean(u, axis=-1, keepdims=True)
        var = jnp.mean((u - mu) ** 2, axis=-1, keepdims=True)
        return (u - mu) / jnp.sqrt(var + 1e-5) * g_ref[0] + be_ref[0]

    h1 = layer(x_ref[...], w1_ref, b1_ref, g1_ref, be1_ref)
    h2 = layer(h1, w2_ref, b2_ref, g2_ref, be2_ref)
    out_ref[...] = jnp.where(mask, h2, out_ref[...])


def _run_experts(t, n_pairs):
    wspec = pl.BlockSpec((1, _D, _D), lambda g, tl, ex, off: (ex[g], 0, 0))
    pspec = pl.BlockSpec((1, 1, _D), lambda g, tl, ex, off: (ex[g], 0, 0))
    return pl.pallas_call(
        _expert_body,
        grid_spec=pltpu.PrefetchScalarGridSpec(
            num_scalar_prefetch=3,
            grid=(n_pairs,),
            in_specs=[
                pl.BlockSpec((_TM, _D), lambda g, tl, ex, off: (tl[g], 0)),
                wspec, pspec, pspec, pspec,
                wspec, pspec, pspec, pspec,
            ],
            out_specs=pl.BlockSpec((_TM, _D), lambda g, tl, ex, off: (tl[g], 0)),
        ),
        out_shape=jax.ShapeDtypeStruct((t, _D), jnp.float32),
        compiler_params=pltpu.CompilerParams(
            dimension_semantics=("arbitrary",),
        ),
    )


def _pair_schedule(offsets, t):
    nt = t // _TM
    n_pairs = nt + _E - 1
    starts = jnp.arange(nt, dtype=jnp.int32) * _TM
    bounds = offsets[1:_E]
    lo = jnp.sum(bounds[None, :] <= starts[:, None], axis=1)
    hi = jnp.sum(bounds[None, :] <= (starts + _TM - 1)[:, None], axis=1)
    p = jnp.concatenate(
        [jnp.zeros((1,), jnp.int32), jnp.cumsum(hi - lo + 1)]
    )
    g = jnp.arange(n_pairs, dtype=jnp.int32)
    tile_g = jnp.sum(g[:, None] >= p[None, 1:], axis=1)
    valid = g < p[nt]
    tile_g = jnp.where(valid, tile_g, nt - 1)
    exp_g = jnp.where(valid, lo[tile_g] + g - p[tile_g], hi[nt - 1])
    return tile_g.astype(jnp.int32), exp_g.astype(jnp.int32), n_pairs


def _sc_scatter(t):
    info = plsc.get_sparse_core_info()
    nw = info.num_cores * info.num_subcores
    rpw = t // nw
    mesh = plsc.VectorSubcoreMesh(core_axis_name="c", subcore_axis_name="s")

    def body(src_hbm, packed_hbm, off_hbm, out_hbm, pos_hbm,
             idx_v, off_v, rows_v, sem1, sem2, sem3, sem4, sem5):
        wid = lax.axis_index("s") * info.num_cores + lax.axis_index("c")
        base = wid * rpw
        cp_idx = pltpu.async_copy(packed_hbm.at[pl.ds(base, rpw)], idx_v, sem1)
        cp_off = pltpu.async_copy(off_hbm, off_v, sem2)
        cp_rows = pltpu.async_copy(src_hbm.at[pl.ds(base, rpw)], rows_v, sem3)
        cp_idx.wait()
        cp_off.wait()
        tb = (t - 1).bit_length()
        for k in range(rpw // 16):
            v = idx_v[pl.ds(k * 16, 16)]
            e = lax.shift_right_logical(v, tb)
            r = v & (t - 1)
            oe = plsc.load_gather(off_v, [e])
            idx_v[pl.ds(k * 16, 16)] = oe + r
        cp_pos = pltpu.async_copy(idx_v, pos_hbm.at[pl.ds(base, rpw)], sem4)
        cp_rows.wait()
        cp_out = pltpu.async_copy(rows_v, out_hbm.at[idx_v], sem5)
        cp_pos.wait()
        cp_out.wait()

    return pl.kernel(
        body,
        out_type=(
            jax.ShapeDtypeStruct((t, _D), jnp.float32),
            jax.ShapeDtypeStruct((t,), jnp.int32),
        ),
        mesh=mesh,
        scratch_types=[
            pltpu.VMEM((rpw,), jnp.int32),
            pltpu.VMEM((16,), jnp.int32),
            pltpu.VMEM((rpw, _D), jnp.float32),
            pltpu.SemaphoreType.DMA,
            pltpu.SemaphoreType.DMA,
            pltpu.SemaphoreType.DMA,
            pltpu.SemaphoreType.DMA,
            pltpu.SemaphoreType.DMA,
        ],
        compiler_params=pltpu.CompilerParams(needs_layout_passes=False),
    )


def _sc_gather(t):
    info = plsc.get_sparse_core_info()
    nw = info.num_cores * info.num_subcores
    rpw = t // nw
    mesh = plsc.VectorSubcoreMesh(core_axis_name="c", subcore_axis_name="s")

    def body(src_hbm, pos_hbm, out_hbm, idx_v, rows_v, sem):
        wid = lax.axis_index("s") * info.num_cores + lax.axis_index("c")
        base = wid * rpw
        pltpu.sync_copy(pos_hbm.at[pl.ds(base, rpw)], idx_v)
        pltpu.async_copy(src_hbm.at[idx_v], rows_v, sem).wait()
        pltpu.sync_copy(rows_v, out_hbm.at[pl.ds(base, rpw)])

    return pl.kernel(
        body,
        out_type=jax.ShapeDtypeStruct((t, _D), jnp.float32),
        mesh=mesh,
        scratch_types=[
            pltpu.VMEM((rpw,), jnp.int32),
            pltpu.VMEM((rpw, _D), jnp.float32),
            pltpu.SemaphoreType.DMA,
        ],
    )


def kernel(input_batch, Wr, br, W1, b1, g1, be1, W2, b2, g2, be2):
    b, s, d = input_batch.shape
    t = b * s
    x = input_batch.reshape(t, d)

    packed2d, off2d = _run_router(t)(x, Wr, br.reshape(1, _E))
    packed = packed2d.reshape(t)
    offsets = off2d.reshape(16)

    x_sorted, pos = _sc_scatter(t)(x, packed, offsets)

    tile_g, exp_g, n_pairs = _pair_schedule(offsets, t)
    h2 = _run_experts(t, n_pairs)(
        tile_g, exp_g, offsets, x_sorted,
        W1, b1.reshape(_E, 1, _D), g1.reshape(_E, 1, _D), be1.reshape(_E, 1, _D),
        W2, b2.reshape(_E, 1, _D), g2.reshape(_E, 1, _D), be2.reshape(_E, 1, _D),
    )

    out = _sc_gather(t)(h2, pos)
    return out.reshape(b, s, d)

# --- scband reference (transcript-rebuilt; emitter-appended) ---
"""Pipeline reference for scband-mixture-of-experts-55018531062013 (READ-ONLY COPY).

The authoritative reference and input builder live on the scoring server;
editing this copy changes nothing except your own understanding.
"""

import jax, jax.numpy as jnp
import numpy as np

E = 8
D = 1024
B = 1
S = 2048
T = B * S

def _layernorm(y, g, b):
    mu = y.mean(-1, keepdims=True)
    var = ((y - mu) ** 2).mean(-1, keepdims=True)
    return (y - mu) / jnp.sqrt(var + 1e-5) * g + b

def setup_inputs(seed: int = 0):
    key = jax.random.key(seed)
    ks = jax.random.split(key, 8)
    return {
        "input_batch": jax.random.normal(ks[0], (B, S, D), jnp.float32),
        "Wr": jax.random.normal(ks[1], (D, E), jnp.float32) * 0.02,
        "br": jnp.zeros((E,), jnp.float32),
        "W1": jax.random.normal(ks[2], (E, D, D), jnp.float32) * 0.02,
        "b1": jnp.zeros((E, D), jnp.float32),
        "g1": jnp.ones((E, D), jnp.float32),
        "be1": jnp.zeros((E, D), jnp.float32),
        "W2": jax.random.normal(ks[3], (E, D, D), jnp.float32) * 0.02,
        "b2": jnp.zeros((E, D), jnp.float32),
        "g2": jnp.ones((E, D), jnp.float32),
        "be2": jnp.zeros((E, D), jnp.float32),
    }

def reference(input_batch, Wr, br, W1, b1, g1, be1, W2, b2, g2, be2):
    # __prepare_inputs: flatten [B,S,D] -> [T,D]
    x = input_batch.reshape(-1, D)
    # RouterModel.compute_logit_scores
    logits = x @ Wr + br
    # SamplerModel.sample_probabilities_and_indices (top-1 routing)
    probs = jax.nn.softmax(logits, axis=-1)
    top_p, top_i = jax.lax.top_k(probs, 1)
    top_p = top_p / top_p.sum(-1, keepdims=True)
    idx = top_i[:, 0]
    # ExpertsLayer: gather samples into expert-sorted order (cat over experts == stable sort by expert id)
    order = jnp.argsort(idx)
    x_s = x[order]
    idx_s = idx[order]
    p_s = top_p[order, 0]
    def expert_layer(h, W, b, g, be):
        # per-expert LayerBlock: linear -> relu -> layernorm, applied to assigned tokens
        out = jnp.zeros((h.shape[0], W.shape[-1]), h.dtype)
        for e in range(E):
            mask = (idx_s == e).astype(h.dtype)[:, None]
            y = jax.nn.relu(h @ W[e] + b[e])
            y = _layernorm(y, g[e], be[e])
            out = out + mask * y
        return out
    h1 = expert_layer(x_s, W1, b1, g1, be1)   # input_experts
    h2 = expert_layer(h1, W2, b2, g2, be2)    # output_experts
    # __compute_expert_mixture: weight by gate prob, index_add back to token order
    weighted = h2 * p_s[:, None]
    out = jnp.zeros((T, D), weighted.dtype).at[order].add(weighted)
    return out.reshape(B, S, D)

if __name__ == "__main__":
    import jax
    _d = setup_inputs()
    print(jax.jit(kernel)(*tuple(_d.values())))

</pallas_src>

<mosaic_0001>
#map = affine_map<(d0, d1) -> (0, 0)>
#map1 = affine_map<(d0, d1) -> (0)>
module attributes {stable_mosaic.version = 14 : i64} {
  func.func @body(%arg0: i32, %arg1: i32, %arg2: memref<2048x1024xf32, #tpu.memory_space<hbm>>, %arg3: memref<2048xi32, #tpu.memory_space<hbm>>, %arg4: memref<2048x1024xf32, #tpu.memory_space<hbm>>, %arg5: memref<64xi32, #tpu.memory_space<vmem>>, %arg6: memref<64x1024xf32, #tpu.memory_space<vmem>>, %arg7: memref<!tpu.dma_semaphore, #tpu.memory_space<semaphore_mem>>) attributes {dimension_semantics = [#tpu.dimension_semantics<core_parallel>, #tpu.dimension_semantics<subcore_parallel>], iteration_bounds = array<i64: 2, 16>, scalar_prefetch = 0 : i64, scratch_operands = 3 : i64, tpu.core_type = #tpu.core_type<sc_vector_subcore>, window_params = [{transform_indices = #map}, {transform_indices = #map1}, {transform_indices = #map}]} {
    %mul3A = arith.constant 2 : i32
    %mul3A_0 = arith.muli %arg1, %mul3A : i32
    %add3A = arith.addi %mul3A_0, %arg0 : i32
    %mul3A_1 = arith.constant 64 : i32
    %mul3A_2 = arith.muli %add3A, %mul3A_1 : i32
    "tpu.region"() ({
      %run_scoped3A = tpu.sem_alloc : memref<!tpu.dma_semaphore, #tpu.memory_space<semaphore_mem>>
      %dma_start3A_7 = tpu.memref_slice %arg3[%mul3A_2] : memref<2048xi32, #tpu.memory_space<hbm>> -> memref<64xi32, #tpu.memory_space<hbm>>
      %dma_start3A_8 = tpu.memref_slice %arg3[%mul3A_2] : memref<2048xi32, #tpu.memory_space<hbm>> -> memref<64xi32, #tpu.memory_space<hbm>>
      tpu.enqueue_dma source(%dma_start3A_8 : memref<64xi32, #tpu.memory_space<hbm>>) target(%arg5 : memref<64xi32, #tpu.memory_space<vmem>>) target_semaphore(%run_scoped3A : memref<!tpu.dma_semaphore, #tpu.memory_space<semaphore_mem>>)
      %dma_wait3A_9 = tpu.memref_slice %arg3[%mul3A_2] : memref<2048xi32, #tpu.memory_space<hbm>> -> memref<64xi32, #tpu.memory_space<hbm>>
      %dma_wait3A_10 = tpu.memref_slice %arg3[%mul3A_2] : memref<2048xi32, #tpu.memory_space<hbm>> -> memref<64xi32, #tpu.memory_space<hbm>>
      tpu.wait_dma2 semaphore(%run_scoped3A : memref<!tpu.dma_semaphore, #tpu.memory_space<semaphore_mem>>) src(%dma_wait3A_10 : memref<64xi32, #tpu.memory_space<hbm>>) dst(%arg5 : memref<64xi32, #tpu.memory_space<vmem>>)
      tpu.yield
    }) : () -> ()
    %dma_start3A = arith.constant 0 : i32
    %dma_start3A_3 = arith.constant 0 : i32
    %dma_start3A_4 = tpu.memref_slice %arg2[%dma_start3A, %dma_start3A_3] : memref<2048x1024xf32, #tpu.memory_space<hbm>> -> memref<2048x1024xf32, #tpu.memory_space<hbm>>
    tpu.enqueue_indirect_dma source(%dma_start3A_4 : memref<2048x1024xf32, #tpu.memory_space<hbm>>) target(%arg6 : memref<64x1024xf32, #tpu.memory_space<vmem>>) offsets(%arg5 : memref<64xi32, #tpu.memory_space<vmem>>) semaphore(%arg7 : memref<!tpu.dma_semaphore, #tpu.memory_space<semaphore_mem>>)
    %dma_wait3A = arith.constant 0 : i32
    %dma_wait3A_5 = arith.constant 0 : i32
    %dma_wait3A_6 = tpu.memref_slice %arg2[%dma_wait3A, %dma_wait3A_5] : memref<2048x1024xf32, #tpu.memory_space<hbm>> -> memref<2048x1024xf32, #tpu.memory_space<hbm>>
    tpu.wait_indirect_dma semaphore(%arg7 : memref<!tpu.dma_semaphore, #tpu.memory_space<semaphore_mem>>) src(%dma_wait3A_6 : memref<2048x1024xf32, #tpu.memory_space<hbm>>) dst(%arg6 : memref<64x1024xf32, #tpu.memory_space<vmem>>)
    "tpu.region"() ({
      %run_scoped3A = tpu.sem_alloc : memref<!tpu.dma_semaphore, #tpu.memory_space<semaphore_mem>>
      %dma_start3A_7 = arith.constant 0 : i32
      %dma_start3A_8 = tpu.memref_slice %arg4[%mul3A_2, %dma_start3A_7] : memref<2048x1024xf32, #tpu.memory_space<hbm>> -> memref<64x1024xf32, #tpu.memory_space<hbm>>
      %dma_start3A_9 = arith.constant 0 : i32
      %dma_start3A_10 = tpu.memref_slice %arg4[%mul3A_2, %dma_start3A_9] : memref<2048x1024xf32, #tpu.memory_space<hbm>> -> memref<64x1024xf32, #tpu.memory_space<hbm>>
      tpu.enqueue_dma source(%arg6 : memref<64x1024xf32, #tpu.memory_space<vmem>>) target(%dma_start3A_10 : memref<64x1024xf32, #tpu.memory_space<hbm>>) target_semaphore(%run_scoped3A : memref<!tpu.dma_semaphore, #tpu.memory_space<semaphore_mem>>)
      %dma_wait3A_11 = arith.constant 0 : i32
      %dma_wait3A_12 = tpu.memref_slice %arg4[%mul3A_2, %dma_wait3A_11] : memref<2048x1024xf32, #tpu.memory_space<hbm>> -> memref<64x1024xf32, #tpu.memory_space<hbm>>
      %dma_wait3A_13 = arith.constant 0 : i32
      %dma_wait3A_14 = tpu.memref_slice %arg4[%mul3A_2, %dma_wait3A_13] : memref<2048x1024xf32, #tpu.memory_space<hbm>> -> memref<64x1024xf32, #tpu.memory_space<hbm>>
      tpu.wait_dma2 semaphore(%run_scoped3A : memref<!tpu.dma_semaphore, #tpu.memory_space<semaphore_mem>>) src(%arg6 : memref<64x1024xf32, #tpu.memory_space<vmem>>) dst(%dma_wait3A_14 : memref<64x1024xf32, #tpu.memory_space<hbm>>)
      tpu.yield
    }) : () -> ()
    return
  }
}

#map = affine_map<(d0, d1) -> (0, 0)>
#map1 = affine_map<(d0, d1) -> (0)>
module attributes {stable_mosaic.version = 14 : i64} {
  func.func @body(%arg0: i32, %arg1: i32, %arg2: memref<2048x1024xf32, #tpu.memory_space<hbm>>, %arg3: memref<2048xi32, #tpu.memory_space<hbm>>, %arg4: memref<16xi32, #tpu.memory_space<hbm>>, %arg5: memref<2048x1024xf32, #tpu.memory_space<hbm>>, %arg6: memref<2048xi32, #tpu.memory_space<hbm>>, %arg7: memref<64xi32, #tpu.memory_space<vmem>>, %arg8: memref<16xi32, #tpu.memory_space<vmem>>, %arg9: memref<64x1024xf32, #tpu.memory_space<vmem>>, %arg10: memref<!tpu.dma_semaphore, #tpu.memory_space<semaphore_mem>>, %arg11: memref<!tpu.dma_semaphore, #tpu.memory_space<semaphore_mem>>, %arg12: memref<!tpu.dma_semaphore, #tpu.memory_space<semaphore_mem>>, %arg13: memref<!tpu.dma_semaphore, #tpu.memory_space<semaphore_mem>>, %arg14: memref<!tpu.dma_semaphore, #tpu.memory_space<semaphore_mem>>) attributes {dimension_semantics = [#tpu.dimension_semantics<core_parallel>, #tpu.dimension_semantics<subcore_parallel>], iteration_bounds = array<i64: 2, 16>, scalar_prefetch = 0 : i64, scratch_operands = 8 : i64, tpu.core_type = #tpu.core_type<sc_vector_subcore>, window_params = [{transform_indices = #map}, {transform_indices = #map1}, {transform_indices = #map1}, {transform_indices = #map}, {transform_indices = #map1}]} {
    %mul3A = arith.constant 2 : i32
    %mul3A_0 = arith.muli %arg1, %mul3A : i32
    %add3A = arith.addi %mul3A_0, %arg0 : i32
    %mul3A_1 = arith.constant 64 : i32
    %mul3A_2 = arith.muli %add3A, %mul3A_1 : i32
    %dma_start3A = tpu.memref_slice %arg3[%mul3A_2] : memref<2048xi32, #tpu.memory_space<hbm>> -> memref<64xi32, #tpu.memory_space<hbm>>
    %dma_start3A_3 = tpu.memref_slice %arg3[%mul3A_2] : memref<2048xi32, #tpu.memory_space<hbm>> -> memref<64xi32, #tpu.memory_space<hbm>>
    tpu.enqueue_dma source(%dma_start3A_3 : memref<64xi32, #tpu.memory_space<hbm>>) target(%arg7 : memref<64xi32, #tpu.memory_space<vmem>>) target_semaphore(%arg10 : memref<!tpu.dma_semaphore, #tpu.memory_space<semaphore_mem>>)
    tpu.enqueue_dma source(%arg4 : memref<16xi32, #tpu.memory_space<hbm>>) target(%arg8 : memref<16xi32, #tpu.memory_space<vmem>>) target_semaphore(%arg11 : memref<!tpu.dma_semaphore, #tpu.memory_space<semaphore_mem>>)
    %dma_start3A_4 = arith.constant 0 : i32
    %dma_start3A_5 = tpu.memref_slice %arg2[%mul3A_2, %dma_start3A_4] : memref<2048x1024xf32, #tpu.memory_space<hbm>> -> memref<64x1024xf32, #tpu.memory_space<hbm>>
    %dma_start3A_6 = arith.constant 0 : i32
    %dma_start3A_7 = tpu.memref_slice %arg2[%mul3A_2, %dma_start3A_6] : memref<2048x1024xf32, #tpu.memory_space<hbm>> -> memref<64x1024xf32, #tpu.memory_space<hbm>>
    tpu.enqueue_dma source(%dma_start3A_7 : memref<64x1024xf32, #tpu.memory_space<hbm>>) target(%arg9 : memref<64x1024xf32, #tpu.memory_space<vmem>>) target_semaphore(%arg12 : memref<!tpu.dma_semaphore, #tpu.memory_space<semaphore_mem>>)
    %dma_wait3A = tpu.memref_slice %arg3[%mul3A_2] : memref<2048xi32, #tpu.memory_space<hbm>> -> memref<64xi32, #tpu.memory_space<hbm>>
    %dma_wait3A_8 = tpu.memref_slice %arg3[%mul3A_2] : memref<2048xi32, #tpu.memory_space<hbm>> -> memref<64xi32, #tpu.memory_space<hbm>>
    tpu.wait_dma2 semaphore(%arg10 : memref<!tpu.dma_semaphore, #tpu.memory_space<semaphore_mem>>) src(%dma_wait3A_8 : memref<64xi32, #tpu.memory_space<hbm>>) dst(%arg7 : memref<64xi32, #tpu.memory_space<vmem>>)
    tpu.wait_dma2 semaphore(%arg11 : memref<!tpu.dma_semaphore, #tpu.memory_space<semaphore_mem>>) src(%arg4 : memref<16xi32, #tpu.memory_space<hbm>>) dst(%arg8 : memref<16xi32, #tpu.memory_space<vmem>>)
    %get3A = arith.constant 0 : index
    %get3A_9 = tpu.vector_load %arg7[%get3A] {strides = array<i32>} : memref<64xi32, #tpu.memory_space<vmem>>, vector<16xi32>,
    %shift_right_logical3A = arith.constant 11 : i32
    %shift_right_logical3A_10 = vector.broadcast %shift_right_logical3A : i32 to vector<16xi32>
    %shift_right_logical3A_11 = arith.shrui %get3A_9, %shift_right_logical3A_10 : vector<16xi32>
    %and3A = arith.constant 2047 : i32
    %and3A_12 = vector.broadcast %and3A : i32 to vector<16xi32>
    %and3A_13 = arith.andi %get3A_9, %and3A_12 : vector<16xi32>
    %gather3A = tpu.vector_load_idx %arg8[%shift_right_logical3A_11] : memref<16xi32, #tpu.memory_space<vmem>>[vector<16xi32>], vector<16xi32>,
    %add3A_14 = arith.addi %gather3A, %and3A_13 : vector<16xi32>
    %swap3A = arith.constant 0 : index
    %swap3A_15 = tpu.vector_load %arg7[%swap3A] {strides = array<i32>} : memref<64xi32, #tpu.memory_space<vmem>>, vector<16xi32>,
    tpu.vector_store %arg7[%swap3A], %add3A_14 {strides = array<i32>} : memref<64xi32, #tpu.memory_space<vmem>>, vector<16xi32>,
    %get3A_16 = arith.constant 16 : index
    %get3A_17 = tpu.vector_load %arg7[%get3A_16] {strides = array<i32>} : memref<64xi32, #tpu.memory_space<vmem>>, vector<16xi32>,
    %shift_right_logical3A_18 = arith.constant 11 : i32
    %shift_right_logical3A_19 = vector.broadcast %shift_right_logical3A_18 : i32 to vector<16xi32>
    %shift_right_logical3A_20 = arith.shrui %get3A_17, %shift_right_logical3A_19 : vector<16xi32>
    %and3A_21 = arith.constant 2047 : i32
    %and3A_22 = vector.broadcast %and3A_21 : i32 to vector<16xi32>
    %and3A_23 = arith.andi %get3A_17, %and3A_22 : vector<16xi32>
    %gather3A_24 = tpu.vector_load_idx %arg8[%shift_right_logical3A_20] : memref<16xi32, #tpu.memory_space<vmem>>[vector<16xi32>], vector<16xi32>,
    %add3A_25 = arith.addi %gather3A_24, %and3A_23 : vector<16xi32>
    %swap3A_26 = arith.constant 16 : index
    %swap3A_27 = tpu.vector_load %arg7[%swap3A_26] {strides = array<i32>} : memref<64xi32, #tpu.memory_space<vmem>>, vector<16xi32>,
    tpu.vector_store %arg7[%swap3A_26], %add3A_25 {strides = array<i32>} : memref<64xi32, #tpu.memory_space<vmem>>, vector<16xi32>,
    %get3A_28 = arith.constant 32 : index
    %get3A_29 = tpu.vector_load %arg7[%get3A_28] {strides = array<i32>} : memref<64xi32, #tpu.memory_space<vmem>>, vector<16xi32>,
    %shift_right_logical3A_30 = arith.constant 11 : i32
    %shift_right_logical3A_31 = vector.broadcast %shift_right_logical3A_30 : i32 to vector<16xi32>
    %shift_right_logical3A_32 = arith.shrui %get3A_29, %shift_right_logical3A_31 : vector<16xi32>
    %and3A_33 = arith.constant 2047 : i32
    %and3A_34 = vector.broadcast %and3A_33 : i32 to vector<16xi32>
    %and3A_35 = arith.andi %get3A_29, %and3A_34 : vector<16xi32>
    %gather3A_36 = tpu.vector_load_idx %arg8[%shift_right_logical3A_32] : memref<16xi32, #tpu.memory_space<vmem>>[vector<16xi32>], vector<16xi32>,
    %add3A_37 = arith.addi %gather3A_36, %and3A_35 : vector<16xi32>
    %swap3A_38 = arith.constant 32 : index
    %swap3A_39 = tpu.vector_load %arg7[%swap3A_38] {strides = array<i32>} : memref<64xi32, #tpu.memory_space<vmem>>, vector<16xi32>,
    tpu.vector_store %arg7[%swap3A_38], %add3A_37 {strides = array<i32>} : memref<64xi32, #tpu.memory_space<vmem>>, vector<16xi32>,
    %get3A_40 = arith.constant 48 : index
    %get3A_41 = tpu.vector_load %arg7[%get3A_40] {strides = array<i32>} : memref<64xi32, #tpu.memory_space<vmem>>, vector<16xi32>,
    %shift_right_logical3A_42 = arith.constant 11 : i32
    %shift_right_logical3A_43 = vector.broadcast %shift_right_logical3A_42 : i32 to vector<16xi32>
    %shift_right_logical3A_44 = arith.shrui %get3A_41, %shift_right_logical3A_43 : vector<16xi32>
    %and3A_45 = arith.constant 2047 : i32
    %and3A_46 = vector.broadcast %and3A_45 : i32 to vector<16xi32>
    %and3A_47 = arith.andi %get3A_41, %and3A_46 : vector<16xi32>
    %gather3A_48 = tpu.vector_load_idx %arg8[%shift_right_logical3A_44] : memref<16xi32, #tpu.memory_space<vmem>>[vector<16xi32>], vector<16xi32>,
    %add3A_49 = arith.addi %gather3A_48, %and3A_47 : vector<16xi32>
    %swap3A_50 = arith.constant 48 : index
    %swap3A_51 = tpu.vector_load %arg7[%swap3A_50] {strides = array<i32>} : memref<64xi32, #tpu.memory_space<vmem>>, vector<16xi32>,
    tpu.vector_store %arg7[%swap3A_50], %add3A_49 {strides = array<i32>} : memref<64xi32, #tpu.memory_space<vmem>>, vector<16xi32>,
    %dma_start3A_52 = tpu.memref_slice %arg6[%mul3A_2] : memref<2048xi32, #tpu.memory_space<hbm>> -> memref<64xi32, #tpu.memory_space<hbm>>
    %dma_start3A_53 = tpu.memref_slice %arg6[%mul3A_2] : memref<2048xi32, #tpu.memory_space<hbm>> -> memref<64xi32, #tpu.memory_space<hbm>>
    tpu.enqueue_dma source(%arg7 : memref<64xi32, #tpu.memory_space<vmem>>) target(%dma_start3A_53 : memref<64xi32, #tpu.memory_space<hbm>>) target_semaphore(%arg13 : memref<!tpu.dma_semaphore, #tpu.memory_space<semaphore_mem>>)
    %dma_wait3A_54 = arith.constant 0 : i32
    %dma_wait3A_55 = tpu.memref_slice %arg2[%mul3A_2, %dma_wait3A_54] : memref<2048x1024xf32, #tpu.memory_space<hbm>> -> memref<64x1024xf32, #tpu.memory_space<hbm>>
    %dma_wait3A_56 = arith.constant 0 : i32
    %dma_wait3A_57 = tpu.memref_slice %arg2[%mul3A_2, %dma_wait3A_56] : memref<2048x1024xf32, #tpu.memory_space<hbm>> -> memref<64x1024xf32, #tpu.memory_space<hbm>>
    tpu.wait_dma2 semaphore(%arg12 : memref<!tpu.dma_semaphore, #tpu.memory_space<semaphore_mem>>) src(%dma_wait3A_57 : memref<64x1024xf32, #tpu.memory_space<hbm>>) dst(%arg9 : memref<64x1024xf32, #tpu.memory_space<vmem>>)
    %dma_start3A_58 = arith.constant 0 : i32
    %dma_start3A_59 = arith.constant 0 : i32
    %dma_start3A_60 = tpu.memref_slice %arg5[%dma_start3A_58, %dma_start3A_59] : memref<2048x1024xf32, #tpu.memory_space<hbm>> -> memref<2048x1024xf32, #tpu.memory_space<hbm>>
    tpu.enqueue_indirect_dma source(%arg9 : memref<64x1024xf32, #tpu.memory_space<vmem>>) target(%dma_start3A_60 : memref<2048x1024xf32, #tpu.memory_space<hbm>>) offsets(%arg7 : memref<64xi32, #tpu.memory_space<vmem>>) semaphore(%arg14 : memref<!tpu.dma_semaphore, #tpu.memory_space<semaphore_mem>>)
    %dma_wait3A_61 = tpu.memref_slice %arg6[%mul3A_2] : memref<2048xi32, #tpu.memory_space<hbm>> -> memref<64xi32, #tpu.memory_space<hbm>>
    %dma_wait3A_62 = tpu.memref_slice %arg6[%mul3A_2] : memref<2048xi32, #tpu.memory_space<hbm>> -> memref<64xi32, #tpu.memory_space<hbm>>
    tpu.wait_dma2 semaphore(%arg13 : memref<!tpu.dma_semaphore, #tpu.memory_space<semaphore_mem>>) src(%arg7 : memref<64xi32, #tpu.memory_space<vmem>>) dst(%dma_wait3A_62 : memref<64xi32, #tpu.memory_space<hbm>>)
    %dma_wait3A_63 = arith.constant 0 : i32
    %dma_wait3A_64 = arith.constant 0 : i32
    %dma_wait3A_65 = tpu.memref_slice %arg5[%dma_wait3A_63, %dma_wait3A_64] : memref<2048x1024xf32, #tpu.memory_space<hbm>> -> memref<2048x1024xf32, #tpu.memory_space<hbm>>
    tpu.wait_indirect_dma semaphore(%arg14 : memref<!tpu.dma_semaphore, #tpu.memory_space<semaphore_mem>>) src(%arg9 : memref<64x1024xf32, #tpu.memory_space<vmem>>) dst(%dma_wait3A_65 : memref<2048x1024xf32, #tpu.memory_space<hbm>>)
    return
  }
}

module attributes {stable_mosaic.version = 14 : i64} {
  func.func @_router_body(%arg0: i32, %arg1: memref<512x1024xf32, #tpu.memory_space<vmem>>, %arg2: memref<1024x8xf32, #tpu.memory_space<vmem>>, %arg3: memref<1x8xf32, #tpu.memory_space<vmem>>, %arg4: memref<512x1xi32, #tpu.memory_space<vmem>>, %arg5: memref<1x16xi32, #tpu.memory_space<vmem>>, %arg6: memref<1x8xf32, #tpu.memory_space<vmem>>) attributes {dimension_semantics = [#tpu.dimension_semantics<arbitrary>], iteration_bounds = array<i64: 4>, scalar_prefetch = 0 : i64, scratch_operands = 1 : i64, tpu.core_type = #tpu.core_type<tc>, window_params = [{transform_indices = @transform_0, window_bounds = array<i64: 512, 1024>}, {pipeline_mode = #tpu.pipeline_mode<synchronous>, transform_indices = @transform_1, window_bounds = array<i64: 1024, 8>}, {pipeline_mode = #tpu.pipeline_mode<synchronous>, transform_indices = @transform_2, window_bounds = array<i64: 1, 8>}, {transform_indices = @transform_3, window_bounds = array<i64: 512, 1>}, {pipeline_mode = #tpu.pipeline_mode<synchronous>, transform_indices = @transform_4, window_bounds = array<i64: 1, 16>}]} {
    %eq3A = arith.constant 0 : i32
    %eq3A_0 = arith.cmpi eq, %arg0, %eq3A : i32
    %convert_element_type3A = arith.extui %eq3A_0 : i1 to i32
    %cond3A = arith.constant 0 : i32
    %cond3A_1 = arith.cmpi ne, %convert_element_type3A, %cond3A : i32
    scf.if %cond3A_1 {
      %broadcast_in_dim3A_157 = arith.constant 0.000000e+00 : f32
      %broadcast_in_dim3A_158 = vector.broadcast %broadcast_in_dim3A_157 : f32 to vector<1x8xf32>
      %swap3A_159 = arith.constant 0 : index
      %swap3A_160 = arith.constant 0 : index
      %swap3A_161 = vector.load %arg6[%swap3A_159, %swap3A_160] : memref<1x8xf32, #tpu.memory_space<vmem>>, vector<1x8xf32>
      tpu.vector_store %arg6[%swap3A_159, %swap3A_160], %broadcast_in_dim3A_158 {strides = array<i32>} : memref<1x8xf32, #tpu.memory_space<vmem>>, vector<1x8xf32>,
    } else {
    }
    %get3A = arith.constant 0 : index
    %get3A_2 = arith.constant 0 : index
    %get3A_3 = vector.load %arg1[%get3A, %get3A_2] : memref<512x1024xf32, #tpu.memory_space<vmem>>, vector<512x1024xf32>
    %get3A_4 = arith.constant 0 : index
    %get3A_5 = arith.constant 0 : index
    %get3A_6 = vector.load %arg2[%get3A_4, %get3A_5] : memref<1024x8xf32, #tpu.memory_space<vmem>>, vector<1024x8xf32>
    %dot_general3A = arith.constant dense<0.000000e+00> : vector<512x8xf32>
    %dot_general3A_7 = tpu.matmul %get3A_3, %get3A_6, %dot_general3A {dimension_numbers = #tpu.dot_dimension_numbers<[1], [0], [0], [1], [0, 0, 1, 1], [], []>, transpose_lhs_hint = false} : vector<512x1024xf32>, vector<1024x8xf32>, vector<512x8xf32> -> vector<512x8xf32>
    %get3A_8 = arith.constant 0 : index
    %get3A_9 = arith.constant 0 : index
    %get3A_10 = vector.load %arg3[%get3A_8, %get3A_9] : memref<1x8xf32, #tpu.memory_space<vmem>>, vector<1x8xf32>
    %add3A = vector.broadcast %get3A_10 : vector<1x8xf32> to vector<512x8xf32>
    %add3A_11 = arith.addf %dot_general3A_7, %add3A : vector<512x8xf32>
    %slice3A = vector.extract_strided_slice %add3A_11 {offsets = [0, 0], sizes = [512, 1], strides = [1, 1]} : vector<512x8xf32> to vector<512x1xf32>
    %broadcast_in_dim3A = arith.constant 0 : i32
    %broadcast_in_dim3A_12 = vector.broadcast %broadcast_in_dim3A : i32 to vector<512x1xi32>
    %slice3A_13 = vector.extract_strided_slice %add3A_11 {offsets = [0, 1], sizes = [512, 1], strides = [1, 1]} : vector<512x8xf32> to vector<512x1xf32>
    %gt3A = arith.cmpf ogt, %slice3A_13, %slice3A : vector<512x1xf32>
    %slice3A_14 = vector.extract_strided_slice %add3A_11 {offsets = [0, 1], sizes = [512, 1], strides = [1, 1]} : vector<512x8xf32> to vector<512x1xf32>
    %select_n3A = arith.select %gt3A, %slice3A_14, %slice3A : vector<512x1xi1>, vector<512x1xf32>
    %jit3A = arith.constant 1 : i32
    %broadcast_in_dim3A_15 = vector.broadcast %jit3A : i32 to vector<512x1xi32>
    %select_n3A_16 = arith.select %gt3A, %broadcast_in_dim3A_15, %broadcast_in_dim3A_12 : vector<512x1xi1>, vector<512x1xi32>
    %slice3A_17 = vector.extract_strided_slice %add3A_11 {offsets = [0, 2], sizes = [512, 1], strides = [1, 1]} : vector<512x8xf32> to vector<512x1xf32>
    %gt3A_18 = arith.cmpf ogt, %slice3A_17, %select_n3A : vector<512x1xf32>
    %slice3A_19 = vector.extract_strided_slice %add3A_11 {offsets = [0, 2], sizes = [512, 1], strides = [1, 1]} : vector<512x8xf32> to vector<512x1xf32>
    %select_n3A_20 = arith.select %gt3A_18, %slice3A_19, %select_n3A : vector<512x1xi1>, vector<512x1xf32>
    %jit3A_21 = arith.constant 2 : i32
    %broadcast_in_dim3A_22 = vector.broadcast %jit3A_21 : i32 to vector<512x1xi32>
    %select_n3A_23 = arith.select %gt3A_18, %broadcast_in_dim3A_22, %select_n3A_16 : vector<512x1xi1>, vector<512x1xi32>
    %slice3A_24 = vector.extract_strided_slice %add3A_11 {offsets = [0, 3], sizes = [512, 1], strides = [1, 1]} : vector<512x8xf32> to vector<512x1xf32>
    %gt3A_25 = arith.cmpf ogt, %slice3A_24, %select_n3A_20 : vector<512x1xf32>
    %slice3A_26 = vector.extract_strided_slice %add3A_11 {offsets = [0, 3], sizes = [512, 1], strides = [1, 1]} : vector<512x8xf32> to vector<512x1xf32>
    %select_n3A_27 = arith.select %gt3A_25, %slice3A_26, %select_n3A_20 : vector<512x1xi1>, vector<512x1xf32>
    %jit3A_28 = arith.constant 3 : i32
    %broadcast_in_dim3A_29 = vector.broadcast %jit3A_28 : i32 to vector<512x1xi32>
    %select_n3A_30 = arith.select %gt3A_25, %broadcast_in_dim3A_29, %select_n3A_23 : vector<512x1xi1>, vector<512x1xi32>
    %slice3A_31 = vector.extract_strided_slice %add3A_11 {offsets = [0, 4], sizes = [512, 1], strides = [1, 1]} : vector<512x8xf32> to vector<512x1xf32>
    %gt3A_32 = arith.cmpf ogt, %slice3A_31, %select_n3A_27 : vector<512x1xf32>
    %slice3A_33 = vector.extract_strided_slice %add3A_11 {offsets = [0, 4], sizes = [512, 1], strides = [1, 1]} : vector<512x8xf32> to vector<512x1xf32>
    %select_n3A_34 = arith.select %gt3A_32, %slice3A_33, %select_n3A_27 : vector<512x1xi1>, vector<512x1xf32>
    %jit3A_35 = arith.constant 4 : i32
    %broadcast_in_dim3A_36 = vector.broadcast %jit3A_35 : i32 to vector<512x1xi32>
    %select_n3A_37 = arith.select %gt3A_32, %broadcast_in_dim3A_36, %select_n3A_30 : vector<512x1xi1>, vector<512x1xi32>
    %slice3A_38 = vector.extract_strided_slice %add3A_11 {offsets = [0, 5], sizes = [512, 1], strides = [1, 1]} : vector<512x8xf32> to vector<512x1xf32>
    %gt3A_39 = arith.cmpf ogt, %slice3A_38, %select_n3A_34 : vector<512x1xf32>
    %slice3A_40 = vector.extract_strided_slice %add3A_11 {offsets = [0, 5], sizes = [512, 1], strides = [1, 1]} : vector<512x8xf32> to vector<512x1xf32>
    %select_n3A_41 = arith.select %gt3A_39, %slice3A_40, %select_n3A_34 : vector<512x1xi1>, vector<512x1xf32>
    %jit3A_42 = arith.constant 5 : i32
    %broadcast_in_dim3A_43 = vector.broadcast %jit3A_42 : i32 to vector<512x1xi32>
    %select_n3A_44 = arith.select %gt3A_39, %broadcast_in_dim3A_43, %select_n3A_37 : vector<512x1xi1>, vector<512x1xi32>
    %slice3A_45 = vector.extract_strided_slice %add3A_11 {offsets = [0, 6], sizes = [512, 1], strides = [1, 1]} : vector<512x8xf32> to vector<512x1xf32>
    %gt3A_46 = arith.cmpf ogt, %slice3A_45, %select_n3A_41 : vector<512x1xf32>
    %slice3A_47 = vector.extract_strided_slice %add3A_11 {offsets = [0, 6], sizes = [512, 1], strides = [1, 1]} : vector<512x8xf32> to vector<512x1xf32>
    %select_n3A_48 = arith.select %gt3A_46, %slice3A_47, %select_n3A_41 : vector<512x1xi1>, vector<512x1xf32>
    %jit3A_49 = arith.constant 6 : i32
    %broadcast_in_dim3A_50 = vector.broadcast %jit3A_49 : i32 to vector<512x1xi32>
    %select_n3A_51 = arith.select %gt3A_46, %broadcast_in_dim3A_50, %select_n3A_44 : vector<512x1xi1>, vector<512x1xi32>
    %slice3A_52 = vector.extract_strided_slice %add3A_11 {offsets = [0, 7], sizes = [512, 1], strides = [1, 1]} : vector<512x8xf32> to vector<512x1xf32>
    %gt3A_53 = arith.cmpf ogt, %slice3A_52, %select_n3A_48 : vector<512x1xf32>
    %jit3A_54 = arith.constant 7 : i32
    %broadcast_in_dim3A_55 = vector.broadcast %jit3A_54 : i32 to vector<512x1xi32>
    %select_n3A_56 = arith.select %gt3A_53, %broadcast_in_dim3A_55, %select_n3A_51 : vector<512x1xi1>, vector<512x1xi32>
    %iota3A = tpu.iota {dimensions = array<i32: 1>} : vector<512x8xi32>
    %eq3A_57 = vector.broadcast %select_n3A_56 : vector<512x1xi32> to vector<512x8xi32>
    %eq3A_58 = arith.cmpi eq, %eq3A_57, %iota3A : vector<512x8xi32>
    %convert_element_type3A_59 = arith.extui %eq3A_58 : vector<512x8xi1> to vector<512x8xi32>
    %convert_element_type3A_60 = arith.sitofp %convert_element_type3A_59 : vector<512x8xi32> to vector<512x8xf32>
    %broadcast_in_dim3A_61 = arith.constant 0.000000e+00 : f32
    %broadcast_in_dim3A_62 = vector.broadcast %broadcast_in_dim3A_61 : f32 to vector<1x8xf32>
    %slice3A_63 = vector.extract_strided_slice %convert_element_type3A_60 {offsets = [0, 0], sizes = [511, 8], strides = [1, 1]} : vector<512x8xf32> to vector<511x8xf32>
    %concatenate3A = tpu.concatenate %broadcast_in_dim3A_62, %slice3A_63 in 0 : vector<1x8xf32>, vector<511x8xf32> -> vector<512x8xf32>
    %add3A_64 = arith.addf %convert_element_type3A_60, %concatenate3A : vector<512x8xf32>
    %broadcast_in_dim3A_65 = arith.constant 0.000000e+00 : f32
    %broadcast_in_dim3A_66 = vector.broadcast %broadcast_in_dim3A_65 : f32 to vector<2x8xf32>
    %slice3A_67 = vector.extract_strided_slice %add3A_64 {offsets = [0, 0], sizes = [510, 8], strides = [1, 1]} : vector<512x8xf32> to vector<510x8xf32>
    %concatenate3A_68 = tpu.concatenate %broadcast_in_dim3A_66, %slice3A_67 in 0 : vector<2x8xf32>, vector<510x8xf32> -> vector<512x8xf32>
    %add3A_69 = arith.addf %add3A_64, %concatenate3A_68 : vector<512x8xf32>
    %broadcast_in_dim3A_70 = arith.constant 0.000000e+00 : f32
    %broadcast_in_dim3A_71 = vector.broadcast %broadcast_in_dim3A_70 : f32 to vector<4x8xf32>
    %slice3A_72 = vector.extract_strided_slice %add3A_69 {offsets = [0, 0], sizes = [508, 8], strides = [1, 1]} : vector<512x8xf32> to vector<508x8xf32>
    %concatenate3A_73 = tpu.concatenate %broadcast_in_dim3A_71, %slice3A_72 in 0 : vector<4x8xf32>, vector<508x8xf32> -> vector<512x8xf32>
    %add3A_74 = arith.addf %add3A_69, %concatenate3A_73 : vector<512x8xf32>
    %broadcast_in_dim3A_75 = arith.constant 0.000000e+00 : f32
    %broadcast_in_dim3A_76 = vector.broadcast %broadcast_in_dim3A_75 : f32 to vector<8x8xf32>
    %slice3A_77 = vector.extract_strided_slice %add3A_74 {offsets = [0, 0], sizes = [504, 8], strides = [1, 1]} : vector<512x8xf32> to vector<504x8xf32>
    %concatenate3A_78 = tpu.concatenate %broadcast_in_dim3A_76, %slice3A_77 in 0 : vector<8x8xf32>, vector<504x8xf32> -> vector<512x8xf32>
    %add3A_79 = arith.addf %add3A_74, %concatenate3A_78 : vector<512x8xf32>
    %broadcast_in_dim3A_80 = arith.constant 0.000000e+00 : f32
    %broadcast_in_dim3A_81 = vector.broadcast %broadcast_in_dim3A_80 : f32 to vector<16x8xf32>
    %slice3A_82 = vector.extract_strided_slice %add3A_79 {offsets = [0, 0], sizes = [496, 8], strides = [1, 1]} : vector<512x8xf32> to vector<496x8xf32>
    %concatenate3A_83 = tpu.concatenate %broadcast_in_dim3A_81, %slice3A_82 in 0 : vector<16x8xf32>, vector<496x8xf32> -> vector<512x8xf32>
    %add3A_84 = arith.addf %add3A_79, %concatenate3A_83 : vector<512x8xf32>
    %broadcast_in_dim3A_85 = arith.constant 0.000000e+00 : f32
    %broadcast_in_dim3A_86 = vector.broadcast %broadcast_in_dim3A_85 : f32 to vector<32x8xf32>
    %slice3A_87 = vector.extract_strided_slice %add3A_84 {offsets = [0, 0], sizes = [480, 8], strides = [1, 1]} : vector<512x8xf32> to vector<480x8xf32>
    %concatenate3A_88 = tpu.concatenate %broadcast_in_dim3A_86, %slice3A_87 in 0 : vector<32x8xf32>, vector<480x8xf32> -> vector<512x8xf32>
    %add3A_89 = arith.addf %add3A_84, %concatenate3A_88 : vector<512x8xf32>
    %broadcast_in_dim3A_90 = arith.constant 0.000000e+00 : f32
    %broadcast_in_dim3A_91 = vector.broadcast %broadcast_in_dim3A_90 : f32 to vector<64x8xf32>
    %slice3A_92 = vector.extract_strided_slice %add3A_89 {offsets = [0, 0], sizes = [448, 8], strides = [1, 1]} : vector<512x8xf32> to vector<448x8xf32>
    %concatenate3A_93 = tpu.concatenate %broadcast_in_dim3A_91, %slice3A_92 in 0 : vector<64x8xf32>, vector<448x8xf32> -> vector<512x8xf32>
    %add3A_94 = arith.addf %add3A_89, %concatenate3A_93 : vector<512x8xf32>
    %broadcast_in_dim3A_95 = arith.constant 0.000000e+00 : f32
    %broadcast_in_dim3A_96 = vector.broadcast %broadcast_in_dim3A_95 : f32 to vector<128x8xf32>
    %slice3A_97 = vector.extract_strided_slice %add3A_94 {offsets = [0, 0], sizes = [384, 8], strides = [1, 1]} : vector<512x8xf32> to vector<384x8xf32>
    %concatenate3A_98 = tpu.concatenate %broadcast_in_dim3A_96, %slice3A_97 in 0 : vector<128x8xf32>, vector<384x8xf32> -> vector<512x8xf32>
    %add3A_99 = arith.addf %add3A_94, %concatenate3A_98 : vector<512x8xf32>
    %broadcast_in_dim3A_100 = arith.constant 0.000000e+00 : f32
    %broadcast_in_dim3A_101 = vector.broadcast %broadcast_in_dim3A_100 : f32 to vector<256x8xf32>
    %slice3A_102 = vector.extract_strided_slice %add3A_99 {offsets = [0, 0], sizes = [256, 8], strides = [1, 1]} : vector<512x8xf32> to vector<256x8xf32>
    %concatenate3A_103 = tpu.concatenate %broadcast_in_dim3A_101, %slice3A_102 in 0 : vector<256x8xf32>, vector<256x8xf32> -> vector<512x8xf32>
    %add3A_104 = arith.addf %add3A_99, %concatenate3A_103 : vector<512x8xf32>
    %get3A_105 = arith.constant 0 : index
    %get3A_106 = arith.constant 0 : index
    %get3A_107 = vector.load %arg6[%get3A_105, %get3A_106] : memref<1x8xf32, #tpu.memory_space<vmem>>, vector<1x8xf32>
    %add3A_108 = vector.broadcast %get3A_107 : vector<1x8xf32> to vector<512x8xf32>
    %add3A_109 = arith.addf %add3A_108, %add3A_104 : vector<512x8xf32>
    %sub3A = arith.subf %add3A_109, %convert_element_type3A_60 : vector<512x8xf32>
    %mul3A = arith.mulf %convert_element_type3A_60, %sub3A : vector<512x8xf32>
    %reduce_sum3A = arith.constant dense<0.000000e+00> : vector<512xf32>
    %reduce_sum3A_110 = vector.multi_reduction <add>, %mul3A, %reduce_sum3A [1] : vector<512x8xf32> to vector<512xf32>
    %broadcast_in_dim3A_111 = vector.shape_cast %reduce_sum3A_110 : vector<512xf32> to vector<512x1xf32>
    %mul3A_112 = arith.constant 2048 : i32
    %mul3A_113 = vector.broadcast %mul3A_112 : i32 to vector<512x1xi32>
    %mul3A_114 = arith.muli %select_n3A_56, %mul3A_113 : vector<512x1xi32>
    %convert_element_type3A_115 = arith.fptosi %broadcast_in_dim3A_111 : vector<512x1xf32> to vector<512x1xi32>
    %add3A_116 = arith.addi %mul3A_114, %convert_element_type3A_115 : vector<512x1xi32>
    %swap3A = arith.constant 0 : index
    %swap3A_117 = arith.constant 0 : index
    %swap3A_118 = vector.load %arg4[%swap3A, %swap3A_117] : memref<512x1xi32, #tpu.memory_space<vmem>>, vector<512x1xi32>
    tpu.vector_store %arg4[%swap3A, %swap3A_117], %add3A_116 {strides = array<i32>} : memref<512x1xi32, #tpu.memory_space<vmem>>, vector<512x1xi32>,
    %get3A_119 = arith.constant 0 : index
    %get3A_120 = arith.constant 0 : index
    %get3A_121 = vector.load %arg6[%get3A_119, %get3A_120] : memref<1x8xf32, #tpu.memory_space<vmem>>, vector<1x8xf32>
    %slice3A_122 = vector.extract_strided_slice %add3A_104 {offsets = [511, 0], sizes = [1, 8], strides = [1, 1]} : vector<512x8xf32> to vector<1x8xf32>
    %add3A_123 = arith.addf %get3A_121, %slice3A_122 : vector<1x8xf32>
    %swap3A_124 = arith.constant 0 : index
    %swap3A_125 = arith.constant 0 : index
    %swap3A_126 = vector.load %arg6[%swap3A_124, %swap3A_125] : memref<1x8xf32, #tpu.memory_space<vmem>>, vector<1x8xf32>
    tpu.vector_store %arg6[%swap3A_124, %swap3A_125], %add3A_123 {strides = array<i32>} : memref<1x8xf32, #tpu.memory_space<vmem>>, vector<1x8xf32>,
    %get3A_127 = arith.constant 0 : index
    %get3A_128 = arith.constant 0 : index
    %get3A_129 = vector.load %arg6[%get3A_127, %get3A_128] : memref<1x8xf32, #tpu.memory_space<vmem>>, vector<1x8xf32>
    %broadcast_in_dim3A_130 = arith.constant 0.000000e+00 : f32
    %broadcast_in_dim3A_131 = vector.broadcast %broadcast_in_dim3A_130 : f32 to vector<1x1xf32>
    %slice3A_132 = vector.extract_strided_slice %get3A_129 {offsets = [0, 0], sizes = [1, 1], strides = [1, 1]} : vector<1x8xf32> to vector<1x1xf32>
    %add3A_133 = arith.addf %broadcast_in_dim3A_131, %slice3A_132 : vector<1x1xf32>
    %slice3A_134 = vector.extract_strided_slice %get3A_129 {offsets = [0, 1], sizes = [1, 1], strides = [1, 1]} : vector<1x8xf32> to vector<1x1xf32>
    %add3A_135 = arith.addf %add3A_133, %slice3A_134 : vector<1x1xf32>
    %slice3A_136 = vector.extract_strided_slice %get3A_129 {offsets = [0, 2], sizes = [1, 1], strides = [1, 1]} : vector<1x8xf32> to vector<1x1xf32>
    %add3A_137 = arith.addf %add3A_135, %slice3A_136 : vector<1x1xf32>
    %slice3A_138 = vector.extract_strided_slice %get3A_129 {offsets = [0, 3], sizes = [1, 1], strides = [1, 1]} : vector<1x8xf32> to vector<1x1xf32>
    %add3A_139 = arith.addf %add3A_137, %slice3A_138 : vector<1x1xf32>
    %slice3A_140 = vector.extract_strided_slice %get3A_129 {offsets = [0, 4], sizes = [1, 1], strides = [1, 1]} : vector<1x8xf32> to vector<1x1xf32>
    %add3A_141 = arith.addf %add3A_139, %slice3A_140 : vector<1x1xf32>
    %slice3A_142 = vector.extract_strided_slice %get3A_129 {offsets = [0, 5], sizes = [1, 1], strides = [1, 1]} : vector<1x8xf32> to vector<1x1xf32>
    %add3A_143 = arith.addf %add3A_141, %slice3A_142 : vector<1x1xf32>
    %slice3A_144 = vector.extract_strided_slice %get3A_129 {offsets = [0, 6], sizes = [1, 1], strides = [1, 1]} : vector<1x8xf32> to vector<1x1xf32>
    %add3A_145 = arith.addf %add3A_143, %slice3A_144 : vector<1x1xf32>
    %concatenate3A_146 = tpu.concatenate %broadcast_in_dim3A_131, %add3A_133, %add3A_135, %add3A_137, %add3A_139, %add3A_141, %add3A_143, %add3A_145 in 1 : vector<1x1xf32>, vector<1x1xf32>, vector<1x1xf32>, vector<1x1xf32>, vector<1x1xf32>, vector<1x1xf32>, vector<1x1xf32>, vector<1x1xf32> -> vector<1x8xf32>
    %slice3A_147 = vector.extract_strided_slice %concatenate3A_146 {offsets = [0, 7], sizes = [1, 1], strides = [1, 1]} : vector<1x8xf32> to vector<1x1xf32>
    %slice3A_148 = vector.extract_strided_slice %get3A_129 {offsets = [0, 7], sizes = [1, 1], strides = [1, 1]} : vector<1x8xf32> to vector<1x1xf32>
    %add3A_149 = arith.addf %slice3A_147, %slice3A_148 : vector<1x1xf32>
    %broadcast_in_dim3A_150 = arith.constant 0.000000e+00 : f32
    %broadcast_in_dim3A_151 = vector.broadcast %broadcast_in_dim3A_150 : f32 to vector<1x1xf32>
    %concatenate3A_152 = tpu.concatenate %concatenate3A_146, %add3A_149, %broadcast_in_dim3A_151, %broadcast_in_dim3A_151, %broadcast_in_dim3A_151, %broadcast_in_dim3A_151, %broadcast_in_dim3A_151, %broadcast_in_dim3A_151, %broadcast_in_dim3A_151 in 1 : vector<1x8xf32>, vector<1x1xf32>, vector<1x1xf32>, vector<1x1xf32>, vector<1x1xf32>, vector<1x1xf32>, vector<1x1xf32>, vector<1x1xf32>, vector<1x1xf32> -> vector<1x16xf32>
    %convert_element_type3A_153 = arith.fptosi %concatenate3A_152 : vector<1x16xf32> to vector<1x16xi32>
    %swap3A_154 = arith.constant 0 : index
    %swap3A_155 = arith.constant 0 : index
    %swap3A_156 = vector.load %arg5[%swap3A_154, %swap3A_155] : memref<1x16xi32, #tpu.memory_space<vmem>>, vector<1x16xi32>
    tpu.vector_store %arg5[%swap3A_154, %swap3A_155], %convert_element_type3A_153 {strides = array<i32>} : memref<1x16xi32, #tpu.memory_space<vmem>>, vector<1x16xi32>,
    return
  }
  func.func @transform_0(%arg0: i32) -> (i32, i32) {
    %c0_i32 = arith.constant 0 : i32
    %c0_i32_0 = arith.constant 0 : i32
    return %arg0, %c0_i32 : i32, i32
  }
  func.func @transform_1(%arg0: i32) -> (i32, i32) {
    %c0_i32 = arith.constant 0 : i32
    %c0_i32_0 = arith.constant 0 : i32
    %c0_i32_1 = arith.constant 0 : i32
    return %c0_i32, %c0_i32_0 : i32, i32
  }
  func.func @transform_2(%arg0: i32) -> (i32, i32) {
    %c0_i32 = arith.constant 0 : i32
    %c0_i32_0 = arith.constant 0 : i32
    %c0_i32_1 = arith.constant 0 : i32
    return %c0_i32, %c0_i32_0 : i32, i32
  }
  func.func @transform_3(%arg0: i32) -> (i32, i32) {
    %c0_i32 = arith.constant 0 : i32
    %c0_i32_0 = arith.constant 0 : i32
    return %arg0, %c0_i32 : i32, i32
  }
  func.func @transform_4(%arg0: i32) -> (i32, i32) {
    %c0_i32 = arith.constant 0 : i32
    %c0_i32_0 = arith.constant 0 : i32
    %c0_i32_1 = arith.constant 0 : i32
    return %c0_i32, %c0_i32_0 : i32, i32
  }
}

module attributes {stable_mosaic.version = 14 : i64} {
  func.func @_expert_body(%arg0: i32, %arg1: memref<11xi32, #tpu.memory_space<smem>>, %arg2: memref<11xi32, #tpu.memory_space<smem>>, %arg3: memref<16xi32, #tpu.memory_space<smem>>, %arg4: memref<512x1024xf32, #tpu.memory_space<vmem>>, %arg5: memref<1x1024x1024xf32, #tpu.memory_space<vmem>>, %arg6: memref<1x1x1024xf32, #tpu.memory_space<vmem>>, %arg7: memref<1x1x1024xf32, #tpu.memory_space<vmem>>, %arg8: memref<1x1x1024xf32, #tpu.memory_space<vmem>>, %arg9: memref<1x1024x1024xf32, #tpu.memory_space<vmem>>, %arg10: memref<1x1x1024xf32, #tpu.memory_space<vmem>>, %arg11: memref<1x1x1024xf32, #tpu.memory_space<vmem>>, %arg12: memref<1x1x1024xf32, #tpu.memory_space<vmem>>, %arg13: memref<512x1024xf32, #tpu.memory_space<vmem>>) attributes {dimension_semantics = [#tpu.dimension_semantics<arbitrary>], iteration_bounds = array<i64: 11>, scalar_prefetch = 3 : i64, scratch_operands = 0 : i64, tpu.core_type = #tpu.core_type<tc>, window_params = [{transform_indices = @transform_0, window_bounds = array<i64: 512, 1024>}, {transform_indices = @transform_1, window_bounds = array<i64: 1, 1024, 1024>}, {transform_indices = @transform_2, window_bounds = array<i64: 1, 1, 1024>}, {transform_indices = @transform_3, window_bounds = array<i64: 1, 1, 1024>}, {transform_indices = @transform_4, window_bounds = array<i64: 1, 1, 1024>}, {transform_indices = @transform_5, window_bounds = array<i64: 1, 1024, 1024>}, {transform_indices = @transform_6, window_bounds = array<i64: 1, 1, 1024>}, {transform_indices = @transform_7, window_bounds = array<i64: 1, 1, 1024>}, {transform_indices = @transform_8, window_bounds = array<i64: 1, 1, 1024>}, {transform_indices = @transform_9, window_bounds = array<i64: 512, 1024>}]} {
    %get3A = arith.index_cast %arg0 : i32 to index
    %get3A_0 = memref.load %arg1[%get3A] : memref<11xi32, #tpu.memory_space<smem>>
    %get3A_1 = arith.index_cast %arg0 : i32 to index
    %get3A_2 = memref.load %arg2[%get3A_1] : memref<11xi32, #tpu.memory_space<smem>>
    %mul3A = arith.constant 512 : i32
    %mul3A_3 = arith.muli %get3A_0, %mul3A : i32
    %iota3A = tpu.iota {dimensions = array<i32: 0>} : vector<512x1xi32>
    %add3A = vector.broadcast %mul3A_3 : i32 to vector<512x1xi32>
    %add3A_4 = arith.addi %add3A, %iota3A : vector<512x1xi32>
    %get3A_5 = arith.index_cast %get3A_2 : i32 to index
    %get3A_6 = memref.load %arg3[%get3A_5] : memref<16xi32, #tpu.memory_space<smem>>
    %ge3A = vector.broadcast %get3A_6 : i32 to vector<512x1xi32>
    %ge3A_7 = arith.cmpi sge, %add3A_4, %ge3A : vector<512x1xi32>
    %add3A_8 = arith.constant 1 : i32
    %add3A_9 = arith.addi %get3A_2, %add3A_8 : i32
    %get3A_10 = arith.index_cast %add3A_9 : i32 to index
    %get3A_11 = memref.load %arg3[%get3A_10] : memref<16xi32, #tpu.memory_space<smem>>
    %lt3A = vector.broadcast %get3A_11 : i32 to vector<512x1xi32>
    %lt3A_12 = arith.cmpi slt, %add3A_4, %lt3A : vector<512x1xi32>
    %and3A = arith.andi %ge3A_7, %lt3A_12 : vector<512x1xi1>
    %get3A_13 = arith.constant 0 : index
    %get3A_14 = arith.constant 0 : index
    %get3A_15 = vector.load %arg4[%get3A_13, %get3A_14] : memref<512x1024xf32, #tpu.memory_space<vmem>>, vector<512x1024xf32>
    %get3A_16 = arith.constant 0 : index
    %get3A_17 = arith.constant 0 : index
    %get3A_18 = arith.constant 0 : index
    %get3A_19 = vector.load %arg5[%get3A_16, %get3A_17, %get3A_18] : memref<1x1024x1024xf32, #tpu.memory_space<vmem>>, vector<1x1024x1024xf32>
    %get3A_20 = vector.shape_cast %get3A_19 : vector<1x1024x1024xf32> to vector<1024x1024xf32>
    %dot_general3A = arith.constant dense<0.000000e+00> : vector<512x1024xf32>
    %dot_general3A_21 = tpu.matmul %get3A_15, %get3A_20, %dot_general3A {dimension_numbers = #tpu.dot_dimension_numbers<[1], [0], [0], [1], [0, 0, 1, 1], [], []>, transpose_lhs_hint = false} : vector<512x1024xf32>, vector<1024x1024xf32>, vector<512x1024xf32> -> vector<512x1024xf32>
    %get3A_22 = arith.constant 0 : index
    %get3A_23 = arith.constant 0 : index
    %get3A_24 = arith.constant 0 : index
    %get3A_25 = vector.load %arg6[%get3A_22, %get3A_23, %get3A_24] : memref<1x1x1024xf32, #tpu.memory_space<vmem>>, vector<1x1x1024xf32>
    %get3A_26 = vector.shape_cast %get3A_25 : vector<1x1x1024xf32> to vector<1x1024xf32>
    %add3A_27 = vector.broadcast %get3A_26 : vector<1x1024xf32> to vector<512x1024xf32>
    %add3A_28 = arith.addf %dot_general3A_21, %add3A_27 : vector<512x1024xf32>
    %max3A = arith.constant 0.000000e+00 : f32
    %max3A_29 = vector.broadcast %max3A : f32 to vector<512x1024xf32>
    %max3A_30 = arith.maximumf %add3A_28, %max3A_29 : vector<512x1024xf32>
    %reduce_sum3A = arith.constant dense<0.000000e+00> : vector<512xf32>
    %reduce_sum3A_31 = vector.multi_reduction <add>, %max3A_30, %reduce_sum3A [1] : vector<512x1024xf32> to vector<512xf32>
    %broadcast_in_dim3A = vector.shape_cast %reduce_sum3A_31 : vector<512xf32> to vector<512x1xf32>
    %div3A = arith.constant 1.024000e+03 : f32
    %div3A_32 = vector.broadcast %div3A : f32 to vector<512x1xf32>
    %div3A_33 = arith.divf %broadcast_in_dim3A, %div3A_32 : vector<512x1xf32>
    %sub3A = vector.broadcast %div3A_33 : vector<512x1xf32> to vector<512x1024xf32>
    %sub3A_34 = arith.subf %max3A_30, %sub3A : vector<512x1024xf32>
    %integer_pow3A = arith.mulf %sub3A_34, %sub3A_34 : vector<512x1024xf32>
    %reduce_sum3A_35 = arith.constant dense<0.000000e+00> : vector<512xf32>
    %reduce_sum3A_36 = vector.multi_reduction <add>, %integer_pow3A, %reduce_sum3A_35 [1] : vector<512x1024xf32> to vector<512xf32>
    %broadcast_in_dim3A_37 = vector.shape_cast %reduce_sum3A_36 : vector<512xf32> to vector<512x1xf32>
    %div3A_38 = arith.constant 1.024000e+03 : f32
    %div3A_39 = vector.broadcast %div3A_38 : f32 to vector<512x1xf32>
    %div3A_40 = arith.divf %broadcast_in_dim3A_37, %div3A_39 : vector<512x1xf32>
    %sub3A_41 = vector.broadcast %div3A_33 : vector<512x1xf32> to vector<512x1024xf32>
    %sub3A_42 = arith.subf %max3A_30, %sub3A_41 : vector<512x1024xf32>
    %add3A_43 = arith.constant 9.99999974E-6 : f32
    %add3A_44 = vector.broadcast %add3A_43 : f32 to vector<512x1xf32>
    %add3A_45 = arith.addf %div3A_40, %add3A_44 : vector<512x1xf32>
    %sqrt3A = math.sqrt %add3A_45 : vector<512x1xf32>
    %div3A_46 = vector.broadcast %sqrt3A : vector<512x1xf32> to vector<512x1024xf32>
    %div3A_47 = arith.divf %sub3A_42, %div3A_46 : vector<512x1024xf32>
    %get3A_48 = arith.constant 0 : index
    %get3A_49 = arith.constant 0 : index
    %get3A_50 = arith.constant 0 : index
    %get3A_51 = vector.load %arg7[%get3A_48, %get3A_49, %get3A_50] : memref<1x1x1024xf32, #tpu.memory_space<vmem>>, vector<1x1x1024xf32>
    %get3A_52 = vector.shape_cast %get3A_51 : vector<1x1x1024xf32> to vector<1x1024xf32>
    %mul3A_53 = vector.broadcast %get3A_52 : vector<1x1024xf32> to vector<512x1024xf32>
    %mul3A_54 = arith.mulf %div3A_47, %mul3A_53 : vector<512x1024xf32>
    %get3A_55 = arith.constant 0 : index
    %get3A_56 = arith.constant 0 : index
    %get3A_57 = arith.constant 0 : index
    %get3A_58 = vector.load %arg8[%get3A_55, %get3A_56, %get3A_57] : memref<1x1x1024xf32, #tpu.memory_space<vmem>>, vector<1x1x1024xf32>
    %get3A_59 = vector.shape_cast %get3A_58 : vector<1x1x1024xf32> to vector<1x1024xf32>
    %add3A_60 = vector.broadcast %get3A_59 : vector<1x1024xf32> to vector<512x1024xf32>
    %add3A_61 = arith.addf %mul3A_54, %add3A_60 : vector<512x1024xf32>
    %get3A_62 = arith.constant 0 : index
    %get3A_63 = arith.constant 0 : index
    %get3A_64 = arith.constant 0 : index
    %get3A_65 = vector.load %arg9[%get3A_62, %get3A_63, %get3A_64] : memref<1x1024x1024xf32, #tpu.memory_space<vmem>>, vector<1x1024x1024xf32>
    %get3A_66 = vector.shape_cast %get3A_65 : vector<1x1024x1024xf32> to vector<1024x1024xf32>
    %dot_general3A_67 = arith.constant dense<0.000000e+00> : vector<512x1024xf32>
    %dot_general3A_68 = tpu.matmul %add3A_61, %get3A_66, %dot_general3A_67 {dimension_numbers = #tpu.dot_dimension_numbers<[1], [0], [0], [1], [0, 0, 1, 1], [], []>, transpose_lhs_hint = false} : vector<512x1024xf32>, vector<1024x1024xf32>, vector<512x1024xf32> -> vector<512x1024xf32>
    %get3A_69 = arith.constant 0 : index
    %get3A_70 = arith.constant 0 : index
    %get3A_71 = arith.constant 0 : index
    %get3A_72 = vector.load %arg10[%get3A_69, %get3A_70, %get3A_71] : memref<1x1x1024xf32, #tpu.memory_space<vmem>>, vector<1x1x1024xf32>
    %get3A_73 = vector.shape_cast %get3A_72 : vector<1x1x1024xf32> to vector<1x1024xf32>
    %add3A_74 = vector.broadcast %get3A_73 : vector<1x1024xf32> to vector<512x1024xf32>
    %add3A_75 = arith.addf %dot_general3A_68, %add3A_74 : vector<512x1024xf32>
    %max3A_76 = arith.constant 0.000000e+00 : f32
    %max3A_77 = vector.broadcast %max3A_76 : f32 to vector<512x1024xf32>
    %max3A_78 = arith.maximumf %add3A_75, %max3A_77 : vector<512x1024xf32>
    %reduce_sum3A_79 = arith.constant dense<0.000000e+00> : vector<512xf32>
    %reduce_sum3A_80 = vector.multi_reduction <add>, %max3A_78, %reduce_sum3A_79 [1] : vector<512x1024xf32> to vector<512xf32>
    %broadcast_in_dim3A_81 = vector.shape_cast %reduce_sum3A_80 : vector<512xf32> to vector<512x1xf32>
    %div3A_82 = arith.constant 1.024000e+03 : f32
    %div3A_83 = vector.broadcast %div3A_82 : f32 to vector<512x1xf32>
    %div3A_84 = arith.divf %broadcast_in_dim3A_81, %div3A_83 : vector<512x1xf32>
    %sub3A_85 = vector.broadcast %div3A_84 : vector<512x1xf32> to vector<512x1024xf32>
    %sub3A_86 = arith.subf %max3A_78, %sub3A_85 : vector<512x1024xf32>
    %integer_pow3A_87 = arith.mulf %sub3A_86, %sub3A_86 : vector<512x1024xf32>
    %reduce_sum3A_88 = arith.constant dense<0.000000e+00> : vector<512xf32>
    %reduce_sum3A_89 = vector.multi_reduction <add>, %integer_pow3A_87, %reduce_sum3A_88 [1] : vector<512x1024xf32> to vector<512xf32>
    %broadcast_in_dim3A_90 = vector.shape_cast %reduce_sum3A_89 : vector<512xf32> to vector<512x1xf32>
    %div3A_91 = arith.constant 1.024000e+03 : f32
    %div3A_92 = vector.broadcast %div3A_91 : f32 to vector<512x1xf32>
    %div3A_93 = arith.divf %broadcast_in_dim3A_90, %div3A_92 : vector<512x1xf32>
    %sub3A_94 = vector.broadcast %div3A_84 : vector<512x1xf32> to vector<512x1024xf32>
    %sub3A_95 = arith.subf %max3A_78, %sub3A_94 : vector<512x1024xf32>
    %add3A_96 = arith.constant 9.99999974E-6 : f32
    %add3A_97 = vector.broadcast %add3A_96 : f32 to vector<512x1xf32>
    %add3A_98 = arith.addf %div3A_93, %add3A_97 : vector<512x1xf32>
    %sqrt3A_99 = math.sqrt %add3A_98 : vector<512x1xf32>
    %div3A_100 = vector.broadcast %sqrt3A_99 : vector<512x1xf32> to vector<512x1024xf32>
    %div3A_101 = arith.divf %sub3A_95, %div3A_100 : vector<512x1024xf32>
    %get3A_102 = arith.constant 0 : index
    %get3A_103 = arith.constant 0 : index
    %get3A_104 = arith.constant 0 : index
    %get3A_105 = vector.load %arg11[%get3A_102, %get3A_103, %get3A_104] : memref<1x1x1024xf32, #tpu.memory_space<vmem>>, vector<1x1x1024xf32>
    %get3A_106 = vector.shape_cast %get3A_105 : vector<1x1x1024xf32> to vector<1x1024xf32>
    %mul3A_107 = vector.broadcast %get3A_106 : vector<1x1024xf32> to vector<512x1024xf32>
    %mul3A_108 = arith.mulf %div3A_101, %mul3A_107 : vector<512x1024xf32>
    %get3A_109 = arith.constant 0 : index
    %get3A_110 = arith.constant 0 : index
    %get3A_111 = arith.constant 0 : index
    %get3A_112 = vector.load %arg12[%get3A_109, %get3A_110, %get3A_111] : memref<1x1x1024xf32, #tpu.memory_space<vmem>>, vector<1x1x1024xf32>
    %get3A_113 = vector.shape_cast %get3A_112 : vector<1x1x1024xf32> to vector<1x1024xf32>
    %add3A_114 = vector.broadcast %get3A_113 : vector<1x1024xf32> to vector<512x1024xf32>
    %add3A_115 = arith.addf %mul3A_108, %add3A_114 : vector<512x1024xf32>
    %get3A_116 = arith.constant 0 : index
    %get3A_117 = arith.constant 0 : index
    %get3A_118 = vector.load %arg13[%get3A_116, %get3A_117] : memref<512x1024xf32, #tpu.memory_space<vmem>>, vector<512x1024xf32>
    %broadcast_in_dim3A_119 = vector.shape_cast %and3A : vector<512x1xi1> to vector<512x1xi1>
    %broadcast_in_dim3A_120 = vector.broadcast %broadcast_in_dim3A_119 : vector<512x1xi1> to vector<512x1024xi1>
    %select_n3A = arith.select %broadcast_in_dim3A_120, %add3A_115, %get3A_118 : vector<512x1024xi1>, vector<512x1024xf32>
    %swap3A = arith.constant 0 : index
    %swap3A_121 = arith.constant 0 : index
    %swap3A_122 = vector.load %arg13[%swap3A, %swap3A_121] : memref<512x1024xf32, #tpu.memory_space<vmem>>, vector<512x1024xf32>
    tpu.vector_store %arg13[%swap3A, %swap3A_121], %select_n3A {strides = array<i32>} : memref<512x1024xf32, #tpu.memory_space<vmem>>, vector<512x1024xf32>,
    return
  }
  func.func @transform_0(%arg0: i32, %arg1: memref<11xi32, #tpu.memory_space<smem>>, %arg2: memref<11xi32, #tpu.memory_space<smem>>, %arg3: memref<16xi32, #tpu.memory_space<smem>>) -> (i32, i32) {
    %get3A = arith.index_cast %arg0 : i32 to index
    %get3A_0 = memref.load %arg1[%get3A] : memref<11xi32, #tpu.memory_space<smem>>
    %c0_i32 = arith.constant 0 : i32
    %c0_i32_1 = arith.constant 0 : i32
    return %get3A_0, %c0_i32 : i32, i32
  }
  func.func @transform_1(%arg0: i32, %arg1: memref<11xi32, #tpu.memory_space<smem>>, %arg2: memref<11xi32, #tpu.memory_space<smem>>, %arg3: memref<16xi32, #tpu.memory_space<smem>>) -> (i32, i32, i32) {
    %get3A = arith.index_cast %arg0 : i32 to index
    %get3A_0 = memref.load %arg2[%get3A] : memref<11xi32, #tpu.memory_space<smem>>
    %c0_i32 = arith.constant 0 : i32
    %c0_i32_1 = arith.constant 0 : i32
    %c0_i32_2 = arith.constant 0 : i32
    return %get3A_0, %c0_i32, %c0_i32_1 : i32, i32, i32
  }
  func.func @transform_2(%arg0: i32, %arg1: memref<11xi32, #tpu.memory_space<smem>>, %arg2: memref<11xi32, #tpu.memory_space<smem>>, %arg3: memref<16xi32, #tpu.memory_space<smem>>) -> (i32, i32, i32) {
    %get3A = arith.index_cast %arg0 : i32 to index
    %get3A_0 = memref.load %arg2[%get3A] : memref<11xi32, #tpu.memory_space<smem>>
    %c0_i32 = arith.constant 0 : i32
    %c0_i32_1 = arith.constant 0 : i32
    %c0_i32_2 = arith.constant 0 : i32
    return %get3A_0, %c0_i32, %c0_i32_1 : i32, i32, i32
  }
  func.func @transform_3(%arg0: i32, %arg1: memref<11xi32, #tpu.memory_space<smem>>, %arg2: memref<11xi32, #tpu.memory_space<smem>>, %arg3: memref<16xi32, #tpu.memory_space<smem>>) -> (i32, i32, i32) {
    %get3A = arith.index_cast %arg0 : i32 to index
    %get3A_0 = memref.load %arg2[%get3A] : memref<11xi32, #tpu.memory_space<smem>>
    %c0_i32 = arith.constant 0 : i32
    %c0_i32_1 = arith.constant 0 : i32
    %c0_i32_2 = arith.constant 0 : i32
    return %get3A_0, %c0_i32, %c0_i32_1 : i32, i32, i32
  }
  func.func @transform_4(%arg0: i32, %arg1: memref<11xi32, #tpu.memory_space<smem>>, %arg2: memref<11xi32, #tpu.memory_space<smem>>, %arg3: memref<16xi32, #tpu.memory_space<smem>>) -> (i32, i32, i32) {
    %get3A = arith.index_cast %arg0 : i32 to index
    %get3A_0 = memref.load %arg2[%get3A] : memref<11xi32, #tpu.memory_space<smem>>
    %c0_i32 = arith.constant 0 : i32
    %c0_i32_1 = arith.constant 0 : i32
    %c0_i32_2 = arith.constant 0 : i32
    return %get3A_0, %c0_i32, %c0_i32_1 : i32, i32, i32
  }
  func.func @transform_5(%arg0: i32, %arg1: memref<11xi32, #tpu.memory_space<smem>>, %arg2: memref<11xi32, #tpu.memory_space<smem>>, %arg3: memref<16xi32, #tpu.memory_space<smem>>) -> (i32, i32, i32) {
    %get3A = arith.index_cast %arg0 : i32 to index
    %get3A_0 = memref.load %arg2[%get3A] : memref<11xi32, #tpu.memory_space<smem>>
    %c0_i32 = arith.constant 0 : i32
    %c0_i32_1 = arith.constant 0 : i32
    %c0_i32_2 = arith.constant 0 : i32
    return %get3A_0, %c0_i32, %c0_i32_1 : i32, i32, i32
  }
  func.func @transform_6(%arg0: i32, %arg1: memref<11xi32, #tpu.memory_space<smem>>, %arg2: memref<11xi32, #tpu.memory_space<smem>>, %arg3: memref<16xi32, #tpu.memory_space<smem>>) -> (i32, i32, i32) {
    %get3A = arith.index_cast %arg0 : i32 to index
    %get3A_0 = memref.load %arg2[%get3A] : memref<11xi32, #tpu.memory_space<smem>>
    %c0_i32 = arith.constant 0 : i32
    %c0_i32_1 = arith.constant 0 : i32
    %c0_i32_2 = arith.constant 0 : i32
    return %get3A_0, %c0_i32, %c0_i32_1 : i32, i32, i32
  }
  func.func @transform_7(%arg0: i32, %arg1: memref<11xi32, #tpu.memory_space<smem>>, %arg2: memref<11xi32, #tpu.memory_space<smem>>, %arg3: memref<16xi32, #tpu.memory_space<smem>>) -> (i32, i32, i32) {
    %get3A = arith.index_cast %arg0 : i32 to index
    %get3A_0 = memref.load %arg2[%get3A] : memref<11xi32, #tpu.memory_space<smem>>
    %c0_i32 = arith.constant 0 : i32
    %c0_i32_1 = arith.constant 0 : i32
    %c0_i32_2 = arith.constant 0 : i32
    return %get3A_0, %c0_i32, %c0_i32_1 : i32, i32, i32
  }
  func.func @transform_8(%arg0: i32, %arg1: memref<11xi32, #tpu.memory_space<smem>>, %arg2: memref<11xi32, #tpu.memory_space<smem>>, %arg3: memref<16xi32, #tpu.memory_space<smem>>) -> (i32, i32, i32) {
    %get3A = arith.index_cast %arg0 : i32 to index
    %get3A_0 = memref.load %arg2[%get3A] : memref<11xi32, #tpu.memory_space<smem>>
    %c0_i32 = arith.constant 0 : i32
    %c0_i32_1 = arith.constant 0 : i32
    %c0_i32_2 = arith.constant 0 : i32
    return %get3A_0, %c0_i32, %c0_i32_1 : i32, i32, i32
  }
  func.func @transform_9(%arg0: i32, %arg1: memref<11xi32, #tpu.memory_space<smem>>, %arg2: memref<11xi32, #tpu.memory_space<smem>>, %arg3: memref<16xi32, #tpu.memory_space<smem>>) -> (i32, i32) {
    %get3A = arith.index_cast %arg0 : i32 to index
    %get3A_0 = memref.load %arg1[%get3A] : memref<11xi32, #tpu.memory_space<smem>>
    %c0_i32 = arith.constant 0 : i32
    %c0_i32_1 = arith.constant 0 : i32
    return %get3A_0, %c0_i32 : i32, i32
  }
}

</mosaic_0001>

<sc_bundles>
// kernel: kernel.6.cloned.1.call-start
scs
__scs_entry_jumppad:
0x0: {  	(pc) =	sbr.rel $0x88, $3  }
0x1: {  	(tag) =	ssettag $0x0;
	lr =	simm.s32 $0x1  }
0x2: {  	[smem:$0x3F96] =	sst lr;
	_ =	strace $0xD0000000  }
0x3: {  	_ = 	snop  }
0x4: {  	_ = 	snop  }
0x5: {  	_ = 	snop  }
0x6: {  	_ = 	snop  }
0x7: {  	_ = 	snop  }
__scs_overlays_trampoline_lowered:
0x8: {  	[smem:$0x3FA5] =	sst s0  }
0x9: {  	[smem:$0x3FA6] =	sst s1  }
0xa: {  	[smem:$0x3FA7] =	sst s2  }
0xb: {  	[smem:$0x3FA8] =	sst s3  }
0xc: {  	[smem:$0x3FA9] =	sst s4  }
0xd: {  	[smem:$0x3FAA] =	sst s5  }
0xe: {  	[smem:$0x3FAB] =	sst s6  }
0xf: {  	[smem:$0x3FAC] =	sst s7  }
0x10: {  	[smem:$0x3FAD] =	sst s8  }
0x11: {  	[smem:$0x3FAE] =	sst s9;
	s0 =	simm.s32 @!p0 $0x0  }
0x12: {  	s1 =	sld [smem:$0x3F94];
	s0 =	simm.s32 @p0 $0x1  }
0x13: {  	[smem:$0x3FAF] =	sst s0;
	s0 =	simm.s32 @!p1 $0x0  }
0x14: {  	s2 =	sld [smem:$0x3F93];
	s0 =	simm.s32 @p1 $0x1  }
0x15: {  	[smem:$0x3FB0] =	sst s0;
	s0 =	simm.s32 @!p2 $0x0  }
0x16: {  	s3 =	sld [smem:$0x3FDB];
	s0 =	simm.s32 @p2 $0x1  }
0x17: {  	s4 =	simm.s32 $0x1BF5;
	[smem:$0x3FB2] =	sst s0  }
0x18: {  	s0 =	sld [smem:$0x3F95];
	_ =	swait.ge [sflag:s4], $0x0  }
0x19: {  	s7 =	sld [smem:$0x3F96]  }
0x1a: {  	s8 =	sadd.s32 $0xFFFFE003, lr  }
0x1b: {  	s9 =	sadd.s32 $0xFFFFFEF7, lr;
	s5 =	simm.s32 $0xFFFFFFFF;
	p2 =	slt.u32 s8, $0xFFFFF086  }
0x1c: {  	p1 =	slt.u32 s9, $0xF7A;
	s5 =	simm.s32 @!p2 $0x0  }
0x1d: {  	s5 =	simm.s32 @p1 $0x1;
	p0 =	seq.s32 s7, s2  }
0x1e: {  	s7 =	smul.u32 @!p0 $0xF7A, s2;
	p2 =	seq.s32 @!p0 s5, $0x0  }
0x1f: {  	s9 =	smul.u32 $0xF7A, s1;
	s8 =	simm.s32 @!p0 $0x1BF5;
	p2 =	por !p2, p0  }
0x20: {  	[sflag:s8] =	ssyncset.s32 @!p0 $0xFFFFF086;
	s6 =	sadd.s32 @!p0 s3, s7;
	s7 =	simm.s32 @!p0 $0x108  }
0x21: {  	s3 =	sadd.s32 s3, s9;
	s6 =	sadd.s32 @!p0 $0x88, s6;
	s7 =	simm.s32 @p2 $0x1082  }
0x22: {  	[simem:s7], [sflag:s8] =	dma.local @!p0 [hbm:s6], $0xF7A  }
0x23: {  	s9 =	sor.u32 $0xD0000000, s2;
	s6 =	simm.s32 $0x108;
	_ =	swait.ge @!p0 [sflag:s8], $0x0  }
0x24: {  	s3 =	sadd.s32 $0x88, s3;
	s6 =	simm.s32 @!p1 $0x1082;
	[sflag:s4] =	ssyncset.s32 $0xFFFFF086  }
0x25: {  	[simem:s6], [sflag:s4] =	dma.local [hbm:s3], $0xF7A  }
0x26: {  	[smem:$0x3F96] =	sst s1;
	(tag) =	ssettag s2;
	_ =	strace s9  }
0x27: {  	s1 =	sld [smem:$0x3FA6]  }
0x28: {  	s2 =	sld [smem:$0x3FA7]  }
0x29: {  	s4 =	sld [smem:$0x3FA9]  }
0x2a: {  	p0 =	seq.s32 s5, $0x0;
	s5 =	sld [smem:$0x3FAA]  }
0x2b: {  	s6 =	sld [smem:$0x3FAB]  }
0x2c: {  	s7 =	sld [smem:$0x3FAC]  }
0x2d: {  	s3 =	simm.s32 $0x108;
	s8 =	sld [smem:$0x3FAD]  }
0x2e: {  	s3 =	simm.s32 @!p0 $0x1082;
	s9 =	sld [smem:$0x3FAE]  }
0x2f: {  	lr =	sadd.s32 s0, s3;
	s0 =	sld [smem:$0x3FA5]  }
0x30: {  	s3 =	sld [smem:$0x3FA8]  }
0x31: {  	[smem:$0x3FB1] =	sst s10  }
0x32: {  	s10 =	sld [smem:$0x3FAF];
	_ =	sdelay $0x3  }
0x33: {  	p0 =	seq.s32 s10, $0x1;
	s10 =	sld [smem:$0x3FB1];
	_ =	sdelay $0x3  }
0x34: {  	[smem:$0x3FB1] =	sst s10  }
0x35: {  	s10 =	sld [smem:$0x3FB0];
	_ =	sdelay $0x3  }
0x36: {  	p1 =	seq.s32 s10, $0x1;
	s10 =	sld [smem:$0x3FB1];
	_ =	sdelay $0x3  }
0x37: {  	[smem:$0x3FB1] =	sst s10  }
0x38: {  	s10 =	sld [smem:$0x3FB2]  }
0x39: {  	_ = 	snop;
	(pc) =	sbr.ind lr, $3  }
0x3a: {  	_ = 	snop  }
0x3b: {  	_ = 	snop  }
0x3c: {  	p2 =	seq.s32 s10, $0x1;
	s10 =	sld [smem:$0x3FB1]  }
0x3d: {  	_ =	shalt  }
0x3e: {  	_ =	shalt  }
0x3f: {  	_ =	shalt  }
0x40: {  	_ =	shalt  }
0x41: {  	_ =	shalt  }
0x42: {  	_ =	shalt  }
0x43: {  	_ =	shalt  }
0x44: {  	_ =	shalt  }
0x45: {  	_ =	shalt  }
0x46: {  	_ =	shalt  }
0x47: {  	_ =	shalt  }
0x48: {  	_ =	shalt  }
0x49: {  	_ =	shalt  }
0x4a: {  	_ =	shalt  }
0x4b: {  	_ =	shalt  }
0x4c: {  	_ =	shalt  }
0x4d: {  	_ =	shalt  }
0x4e: {  	_ =	shalt  }
0x4f: {  	_ =	shalt  }
0x50: {  	_ =	shalt  }
0x51: {  	_ =	shalt  }
0x52: {  	_ =	shalt  }
0x53: {  	_ =	shalt  }
0x54: {  	_ =	shalt  }
0x55: {  	_ =	shalt  }
0x56: {  	_ =	shalt  }
0x57: {  	_ =	shalt  }
0x58: {  	_ =	shalt  }
0x59: {  	_ =	shalt  }
0x5a: {  	_ =	shalt  }
0x5b: {  	_ =	shalt  }
0x5c: {  	_ =	shalt  }
0x5d: {  	_ =	shalt  }
0x5e: {  	_ =	shalt  }
0x5f: {  	_ =	shalt  }
0x60: {  	_ =	shalt  }
0x61: {  	_ =	shalt  }
0x62: {  	_ =	shalt  }
0x63: {  	_ =	shalt  }
0x64: {  	_ =	shalt  }
0x65: {  	_ =	shalt  }
0x66: {  	_ =	shalt  }
0x67: {  	_ =	shalt  }
0x68: {  	_ =	shalt  }
0x69: {  	_ =	shalt  }
0x6a: {  	_ =	shalt  }
0x6b: {  	_ =	shalt  }
0x6c: {  	_ =	shalt  }
0x6d: {  	_ =	shalt  }
0x6e: {  	_ =	shalt  }
0x6f: {  	_ =	shalt  }
0x70: {  	_ =	shalt  }
0x71: {  	_ =	shalt  }
0x72: {  	_ =	shalt  }
0x73: {  	_ =	shalt  }
0x74: {  	_ =	shalt  }
0x75: {  	_ =	shalt  }
0x76: {  	_ =	shalt  }
0x77: {  	_ =	shalt  }
0x78: {  	_ =	shalt  }
0x79: {  	_ =	shalt  }
0x7a: {  	_ =	shalt  }
0x7b: {  	_ =	shalt  }
0x7c: {  	_ =	shalt  }
0x7d: {  	_ =	shalt  }
0x7e: {  	_ =	shalt  }
0x7f: {  	_ =	shalt  }
0x80: {  	_ =	shalt  }
0x81: {  	_ =	shalt  }
0x82: {  	_ =	shalt  }
0x83: {  	_ =	shalt  }
0x84: {  	_ =	shalt  }
0x85: {  	_ =	shalt  }
0x86: {  	_ =	shalt  }
0x87: {  	_ =	shalt  }
.Lfunc_end0:
.L_simem_size_0:
called_computation_lowered:
.L_overlay_start_0:
0x88: {  	s2 =	sld [smem:$0x3FD9]  }
0x89: {  	s3 =	sld [smem:$0x3FFE];
	_ =	sdelay $0x1  }
0x8a: {  	s1 =	srdreg.scid  }
0x8b: {  	s0 =	sand.u32 $0x1, s1  }
0x8c: {  	s17 =	sshll.u32 s0, $0xA;
	s2 =	sadd.s32 s3, s2  }
0x8d: {  	s2 =	sadd.s32 s2, s17  }
0x8e: {  	[smem:$0x3FBD] =	sst s2  }
0x8f: {  	_ = 	snop  }
0x90: {  	s2 =	sld [smem:$0x3FC9]  }
0x91: {  	s18 =	sld [smem:$0x3FD0];
	(tm) =	ssettm $0x1  }
0x92: {  	s4 =	sld [smem:$0x3FFB];
	_ =	sdelay $0x3  }
0x93: {  	_ =	strace s4  }
0x94: {  	s4 =	sld [smem:$0x3FFC];
	_ =	sdelay $0x3  }
0x95: {  	_ =	strace s4  }
0x96: {  	s4 =	sld [smem:$0x3FFD];
	_ =	sdelay $0x3  }
0x97: {  	_ =	strace s4  }
0x98: {  	_ =	strace $0x8FFFFFFF  }
0x99: {  	s19 =	sld [smem:$0x3FDB];
	_ =	sdelay $0x1  }
0x9a: {  	s5 =	simm.s32 $_scs_section_size  }
0x9b: {  	s6 =	simm.s32 $_size__tile_overlayer_lowered;
	s7 =	simm.s32 $_tile_overlayer_lowered  }
0x9c: {  	s22 =	simm.s32 $0x1BFF;
	s21 =	sshll.u32 s7, $0x1;
	s4 =	sadd.s32 s5, s19  }
0x9d: {  	s8 =	simm.s32 $0x0;
	s20 =	sshll.u32 s6, $0x1;
	s6 =	sadd.s32 s21, s4  }
0x9e: {  	[timem:s8], [sflag:s22] =	dma.local [hbm:s6], s20  }
0x9f: {  	_ =	swait.ge [sflag:s22], s20  }
0xa0: {  	s5 =	ssub.s32 $0x0, s20;
	[sflag:s22] =	ssyncset.done $0x0  }
0xa1: {  	[sflag:s22] =	ssyncadd.s32 s5;
	_ =	sdelay $0x1  }
0xa2: {  	s23 =	simm.s32 $0x1B8B  }
0xa3: {  	_ =	swait.ge [sflag:s23], $0x1  }
0xa4: {  	[sflag:s23] =	ssyncset.done $0x0  }
0xa5: {  	s25 =	simm.s32 $0x1B8E;
	s24 =	sld [smem:$0x3FFE];
	[sflag:s23] =	ssyncadd.s32 $0xFFFFFFFF  }
0xa6: {  	s26 =	simm.s32 $execute0_lowered;
	[smem:$0x3FD2] =	sst s25  }
0xa7: {  	s6 =	sshll.u32 s26, $0x1;
	_ =	strace $0x80000046;
	[dreg:$0x1] =	wrdreg $0xFFFFFFFF  }
0xa8: {  	s28 =	simm.s32 $_size_execute0_lowered;
	s4 =	sadd.s32 s4, s6;
	[dreg:$0x0] =	wrdreg $0x0  }
0xa9: {  	s6 =	sshll.u32 s28, $0x1;
	[dreg:$0x2] =	wrdreg s4  }
0xaa: {  	[dreg:$0x3] =	wrdreg s6  }
0xab: {  	[dreg:$0x4] =	wrdreg $0xC0  }
0xac: {  	_ =	task [dreg:s8], $0x5FFFF  }
0xad: {  	[dreg:$0x1] =	wrdreg $0xFFFFFFFF  }
0xae: {  	[dreg:$0x0] =	wrdreg $0x60  }
0xaf: {  	[dreg:$0x2] =	wrdreg s2  }
0xb0: {  	[dreg:$0x3] =	wrdreg s24  }
0xb1: {  	[dreg:$0x4] =	wrdreg s18  }
0xb2: {  	[dreg:$0x5] =	wrdreg $0x9  }
0xb3: {  	_ =	task.clear_ibuf [dreg:s8], $0x6FFFF;
	_ =	strace $0x90000046  }
0xb4: {  	s29 =	simm.s32 $0x9;
	_ =	strace $0x80000048  }
0xb5: {  	_ =	swait.ge [sflag:s29], $0x1  }
0xb6: {  	[sflag:s29] =	ssyncadd.s32 $0xFFFFFFFF  }
0xb7: {  	_ =	strace $0x90000048  }
0xb8: {  	_ =	sfence  }
0xb9: {  	s30 =	sld [smem:$0x0];
	_ =	sdelay $0x2  }
0xba: {  	s31 =	sshll.u32 s1, $0xD;
	s1 =	sshrl.u32 s1, $0x2  }
0xbb: {  	s3 =	sand.u32 $0x4000, s31;
	s1 =	sadd.s32 s1, s30  }
0xbc: {  	s0 =	sor.u32 s3, s0;
	s1 =	sshll.u32 s1, $0x11  }
0xbd: {  	s0 =	sor.u32 s1, s0  }
0xbe: {  	s0 =	sadd.s32 $0x8F2B, s0  }
0xbf: {  	[sflag:s0] =	ssyncadd.remote.s32 $0x1  }
0xc0: {  	_ =	sfence.sel $0xFFFF  }
0xc1: {  	[dreg:$0x0] =	wrdreg $0xFFFFFFFF;
	(pc) =	sbr.abs _section_cstart, $3  }
0xc2: {  	[dreg:$0x1] =	wrdreg $0xFFFFFFFF  }
0xc3: {  	_ =	task.clear_ibuf [dreg:s8], $0x2FFFF;
	_ =	strace $0x9FFFFFFF  }
0xc4: {  	(tm) =	ssettm $0x7FFFFFFF  }
0xc5: {  	_ =	shalt  }
tec
execute0_lowered:
.L_overlay_start_1:
0x0: {  	(tag) =	ssettag $0x1  }
0x1: {  	s1 =	rddreg [dreg:$0x0]  }
0x2: {  	s2 =	srdreg.scid;
	s4 =	rddreg [dreg:$0x1]  }
0x3: {  	s3 =	simm.s32 $0x0;
	s5 =	sand.u32 $0x1, s2;
	s2 =	rddreg [dreg:$0x2]  }
0x4: {  	[smem:$0x7FF] =	sst s3;
	s8 =	sadd.s32 $0x1000, s4  }
0x5: {  	s11 =	simm.s32 $0x900;
	_ =	strace $0x80000047;
	[dreg:$0x4] =	wrdreg s8  }
0x6: {  	s12 =	simm.s32 $0x1100;
	[dreg:$0x8] =	wrdreg s11  }
0x7: {  	s13 =	simm.s32 $0x1900;
	[dreg:$0x9] =	wrdreg s12  }
0x8: {  	s0 =	stileid.u32;
	s15 =	simm.s32 $0x2100;
	[dreg:$0xa] =	wrdreg s13  }
0x9: {  	s16 =	simm.s32 $0x2900;
	s18 =	simm.s32 $0x3100;
	[dreg:$0xb] =	wrdreg s15  }
0xa: {  	s19 =	simm.s32 $0x3900;
	s20 =	simm.s32 $0x4100;
	[dreg:$0xc] =	wrdreg s16  }
0xb: {  	s21 =	simm.s32 $0x4900;
	s22 =	simm.s32 $0x5100;
	[dreg:$0xd] =	wrdreg s18  }
0xc: {  	s23 =	simm.s32 $0x5900;
	s9 =	simm.s32 $0x100;
	[dreg:$0xe] =	wrdreg s19  }
0xd: {  	s24 =	simm.s32 $0x6100;
	s25 =	simm.s32 $0x6900;
	[dreg:$0xf] =	wrdreg s20  }
0xe: {  	s26 =	simm.s32 $0x7100;
	s28 =	simm.s32 $0xE900;
	[dreg:$0x10] =	wrdreg s21  }
0xf: {  	s29 =	simm.s32 $0xF100;
	s30 =	simm.s32 $0xF900;
	[dreg:$0x11] =	wrdreg s22  }
0x10: {  	s31 =	simm.s32 $0x4;
	s6 =	sshll.u32 s0, $0x7;
	[dreg:$0x12] =	wrdreg s23  }
0x11: {  	s7 =	sshll.u32 s5, $0x6;
	s14 =	ssub.s32 $0x2, s5;
	[dreg:$0x13] =	wrdreg s24  }
0x12: {  	s8 =	simm.s32 $0x80;
	s11 =	simm.s32 $0x2;
	[dreg:$0x14] =	wrdreg s25  }
0x13: {  	s12 =	simm.s32 $0x3;
	[dreg:$0x15] =	wrdreg s26;
	s15 =	simm.s32 $0x8900  }
0x14: {  	s16 =	simm.s32 $0x9100;
	s18 =	simm.s32 $0xA100;
	s19 =	simm.s32 $0xA900  }
0x15: {  	s20 =	simm.s32 $0xB100;
	s21 =	simm.s32 $0xB900;
	s22 =	simm.s32 $0xC100  }
0x16: {  	s23 =	simm.s32 $0xC900;
	s24 =	simm.s32 $0xD100;
	s25 =	simm.s32 $0xD900  }
0x17: {  	s26 =	simm.s32 $0xE100;
	s6 =	sor.u32 s7, s6;
	s5 =	sshrl.u32 s14, $0x1  }
0x18: {  	s7 =	sshrl.u32 s6, $0x3;
	s6 =	sshll.u32 s6, $0x7;
	s17 =	ssub.s32 s14, s5  }
0x19: {  	s5 =	sadd.s32 $0x200, s2;
	s4 =	sadd.s32 s7, s4;
	s1 =	sadd.s32 s1, s6  }
0x1a: {  	s14 =	simm.s32 $0x8100;
	s7 =	sadd.s32 $0x1200, s4;
	[dreg:$0x6] =	wrdreg s1  }
0x1b: {  	v2 =	vlaneseq.u32;
	s6 =	sadd.s32 $0x300, s2;
	s10 =	sadd.s32 $0x1400, s4;
	[dreg:$0x5] =	wrdreg s7  }
0x1c: {  	vm0 =	vmmov $0xffff;
	v1 =	vshrl.u32 v2, $0x3;
	s4 =	sadd.s32 $0x100, s2;
	s1 =	simm.s32 $0x5;
	[dreg:$0x7] =	wrdreg s10  }
0x1d: {  	v0 =	vand.u32 $0x7, v2;
	v2 =	vor.u32 $0x8, v2;
	v1 =	vmul.u32 $0x8, v1;
	s7 =	smax.u32 s17, $0x1;
	s10 =	simm.s32 $0x1;
	s17 =	simm.s32 $0x9900  }
.LBB2_1:
0x1e: {  	s0 =	rddreg [dreg:$0x5]  }
0x1f: {  	[tilespmem:s3], [sflag:$0x1] =	stream.linear.gather [hbm4b:s0+s3], $0x40, $0x38;
	[tilespmem:$0x10100] =	vst v63  }
0x20: {  	s13 =	rddreg [dreg:$0x4]  }
0x21: {  	[tilespmem:s8], [sflag:$0x2] =	stream.linear.gather [hbm4b:s13+s3], $0x80, $0x38;
	[tilespmem:$0x10100] =	vst v63  }
0x22: {  	s0 =	rddreg [dreg:$0x6]  }
0x23: {  	[tilespmem:s9], [sflag:$0x3] =	stream.linear.gather [hbm4b:s0+s3], $0x10000, $0x38;
	[tilespmem:$0x10100] =	vst v63  }
0x24: {  	_ =	swait.ge [sflag:s10], $0x40  }
0x25: {  	[sflag:s10] =	ssyncset.done $0x0  }
0x26: {  	[sflag:s10] =	ssyncadd.s32 $0xFFFFFFC0  }
0x27: {  	_ =	swait.ge [sflag:s11], $0x80  }
0x28: {  	[sflag:s11] =	ssyncset.done $0x0  }
0x29: {  	[sflag:s11] =	ssyncadd.s32 $0xFFFFFF80  }
0x2a: {  	v3 =	vld [tilespmem:$0x0];
	_ =	sdelay $0x4  }
0x2b: {  	v4 =	vshrl.u32 v3, $0xB;
	_ =	sdelay $0x1  }
0x2c: {  	v5 =	vld [tilespmem:$0x10];
	_ =	sdelay $0x2  }
0x2d: {  	v4 =	vld.idx.msk [tilespmem:v4+s8+$0x0], $0xffff;
	_ =	sdelay $0x1  }
0x2e: {  	v6 =	vshrl.u32 v5, $0xB;
	_ =	sdelay $0x1  }
0x2f: {  	v7 =	vld [tilespmem:$0x20];
	v3 =	vand.u32 $0x7FF, v3  }
0x30: {  	v3 =	vadd.s32 v3, v4  }
0x31: {  	[tilespmem:$0x0] =	vst v3  }
0x32: {  	v3 =	vld.idx.msk [tilespmem:v6+s8+$0x0], $0xffff;
	_ =	sdelay $0x1  }
0x33: {  	v55 =	vshrl.u32 v7, $0xB;
	_ =	sdelay $0x1  }
0x34: {  	v56 =	vld [tilespmem:$0x30];
	v5 =	vand.u32 $0x7FF, v5  }
0x35: {  	v3 =	vadd.s32 v5, v3  }
0x36: {  	[tilespmem:$0x10] =	vst v3  }
0x37: {  	v3 =	vld.idx.msk [tilespmem:v55+s8+$0x0], $0xffff;
	_ =	sdelay $0x1  }
0x38: {  	v57 =	vshrl.u32 v56, $0xB;
	_ =	sdelay $0x1  }
0x39: {  	v58 =	vand.u32 $0x7FF, v7  }
0x3a: {  	v3 =	vadd.s32 v58, v3  }
0x3b: {  	[tilespmem:$0x20] =	vst v3  }
0x3c: {  	v3 =	vld.idx.msk [tilespmem:v57+s8+$0x0], $0xffff;
	_ =	sdelay $0x3  }
0x3d: {  	v59 =	vand.u32 $0x7FF, v56  }
0x3e: {  	v3 =	vadd.s32 v59, v3  }
0x3f: {  	s13 =	rddreg [dreg:$0x7];
	[tilespmem:$0x30] =	vst v3  }
0x40: {  	[hbm4b:s13+s3] =	stream.linear.scatter [tilespmem:s3], [sflag:$0x4], $0x40, $0x38;
	[tilespmem:$0x10100] =	vst v63  }
0x41: {  	_ =	swait.ge [sflag:s12], $0x10000  }
0x42: {  	[sflag:s12] =	ssyncset.done $0x0  }
0x43: {  	[sflag:s12] =	ssyncadd.s32 $0xFFFF0000  }
0x44: {  	v3 =	vld [tilespmem:$0x0];
	_ =	sdelay $0x4  }
0x45: {  	v60 =	vshll.u32 v3, $0x3  }
0x46: {  	v3 =	vand.u32 $0x7, v3;
	v4 =	vand.u32 $0xFFFFFFC0, v60  }
0x47: {  	v3 =	vor.u32 v3, v4  }
0x48: {  	v4 =	vperm.xlane v3, v0;
	_ =	sdelay $0x1  }
0x49: {  	v4 =	vadd.s32 v1, v4;
	_ =	sdelay $0x4  }
0x4a: {  	[hbm4b:s2+s3] =	stream.indirect_vreg.scatter [tilespmem:s9], [sflag:$0x5], $0x80, v4, vm0, $0xb8;
	[tilespmem:$0x10100] =	vst v63  }
0x4b: {  	s0 =	rddreg [dreg:$0x8];
	v3 =	vperm.xlane v3, v2  }
0x4c: {  	[hbm4b:s4+s3] =	stream.indirect_vreg.scatter [tilespmem:s0], [sflag:$0x5], $0x80, v4, vm0, $0xb8;
	[tilespmem:$0x10100] =	vst v63  }
0x4d: {  	s13 =	rddreg [dreg:$0x9];
	v3 =	vadd.s32 v1, v3  }
0x4e: {  	[hbm4b:s5+s3] =	stream.indirect_vreg.scatter [tilespmem:s13], [sflag:$0x5], $0x80, v4, vm0, $0xb8;
	[tilespmem:$0x10100] =	vst v63  }
0x4f: {  	s0 =	rddreg [dreg:$0xa]  }
0x50: {  	[hbm4b:s6+s3] =	stream.indirect_vreg.scatter [tilespmem:s0], [sflag:$0x5], $0x80, v4, vm0, $0xb8;
	[tilespmem:$0x10100] =	vst v63  }
0x51: {  	s13 =	rddreg [dreg:$0xb]  }
0x52: {  	[hbm4b:s2+s3] =	stream.indirect_vreg.scatter [tilespmem:s13], [sflag:$0x5], $0x80, v3, vm0, $0xb8;
	[tilespmem:$0x10100] =	vst v63  }
0x53: {  	s0 =	rddreg [dreg:$0xc]  }
0x54: {  	[hbm4b:s4+s3] =	stream.indirect_vreg.scatter [tilespmem:s0], [sflag:$0x5], $0x80, v3, vm0, $0xb8;
	[tilespmem:$0x10100] =	vst v63  }
0x55: {  	s13 =	rddreg [dreg:$0xd]  }
0x56: {  	[hbm4b:s5+s3] =	stream.indirect_vreg.scatter [tilespmem:s13], [sflag:$0x5], $0x80, v3, vm0, $0xb8;
	[tilespmem:$0x10100] =	vst v63  }
0x57: {  	s0 =	rddreg [dreg:$0xe]  }
0x58: {  	[hbm4b:s6+s3] =	stream.indirect_vreg.scatter [tilespmem:s0], [sflag:$0x5], $0x80, v3, vm0, $0xb8;
	[tilespmem:$0x10100] =	vst v63  }
0x59: {  	v3 =	vld [tilespmem:$0x10];
	_ =	sdelay $0x4  }
0x5a: {  	v61 =	vshll.u32 v3, $0x3  }
0x5b: {  	v3 =	vand.u32 $0x7, v3;
	v4 =	vand.u32 $0xFFFFFFC0, v61  }
0x5c: {  	v3 =	vor.u32 v3, v4  }
0x5d: {  	v4 =	vperm.xlane v3, v0;
	_ =	sdelay $0x1  }
0x5e: {  	v4 =	vadd.s32 v1, v4;
	_ =	sdelay $0x3  }
0x5f: {  	s0 =	rddreg [dreg:$0xf]  }
0x60: {  	[hbm4b:s2+s3] =	stream.indirect_vreg.scatter [tilespmem:s0], [sflag:$0x5], $0x80, v4, vm0, $0xb8;
	[tilespmem:$0x10100] =	vst v63  }
0x61: {  	s13 =	rddreg [dreg:$0x10];
	v3 =	vperm.xlane v3, v2  }
0x62: {  	[hbm4b:s4+s3] =	stream.indirect_vreg.scatter [tilespmem:s13], [sflag:$0x5], $0x80, v4, vm0, $0xb8;
	[tilespmem:$0x10100] =	vst v63  }
0x63: {  	v3 =	vadd.s32 v1, v3;
	s0 =	rddreg [dreg:$0x11]  }
0x64: {  	[hbm4b:s5+s3] =	stream.indirect_vreg.scatter [tilespmem:s0], [sflag:$0x5], $0x80, v4, vm0, $0xb8;
	[tilespmem:$0x10100] =	vst v63  }
0x65: {  	s13 =	rddreg [dreg:$0x12]  }
0x66: {  	[hbm4b:s6+s3] =	stream.indirect_vreg.scatter [tilespmem:s13], [sflag:$0x5], $0x80, v4, vm0, $0xb8;
	[tilespmem:$0x10100] =	vst v63  }
0x67: {  	s0 =	rddreg [dreg:$0x13]  }
0x68: {  	[hbm4b:s2+s3] =	stream.indirect_vreg.scatter [tilespmem:s0], [sflag:$0x5], $0x80, v3, vm0, $0xb8;
	[tilespmem:$0x10100] =	vst v63  }
0x69: {  	s13 =	rddreg [dreg:$0x14]  }
0x6a: {  	[hbm4b:s4+s3] =	stream.indirect_vreg.scatter [tilespmem:s13], [sflag:$0x5], $0x80, v3, vm0, $0xb8;
	[tilespmem:$0x10100] =	vst v63  }
0x6b: {  	s0 =	rddreg [dreg:$0x15]  }
0x6c: {  	[hbm4b:s5+s3] =	stream.indirect_vreg.scatter [tilespmem:s0], [sflag:$0x5], $0x80, v3, vm0, $0xb8;
	[tilespmem:$0x10100] =	vst v63  }
0x6d: {  	s13 =	simm.s32 $0x7900  }
0x6e: {  	[hbm4b:s6+s3] =	stream.indirect_vreg.scatter [tilespmem:s13], [sflag:$0x5], $0x80, v3, vm0, $0xb8;
	[tilespmem:$0x10100] =	vst v63  }
0x6f: {  	v3 =	vld [tilespmem:$0x20];
	_ =	sdelay $0x4  }
0x70: {  	v62 =	vshll.u32 v3, $0x3  }
0x71: {  	v3 =	vand.u32 $0x7, v3;
	v4 =	vand.u32 $0xFFFFFFC0, v62  }
0x72: {  	v3 =	vor.u32 v3, v4  }
0x73: {  	v4 =	vperm.xlane v3, v0;
	_ =	sdelay $0x1  }
0x74: {  	v4 =	vadd.s32 v1, v4;
	_ =	sdelay $0x4  }
0x75: {  	[hbm4b:s2+s3] =	stream.indirect_vreg.scatter [tilespmem:s14], [sflag:$0x5], $0x80, v4, vm0, $0xb8;
	[tilespmem:$0x10100] =	vst v63  }
0x76: {  	v3 =	vperm.xlane v3, v2  }
0x77: {  	[hbm4b:s4+s3] =	stream.indirect_vreg.scatter [tilespmem:s15], [sflag:$0x5], $0x80, v4, vm0, $0xb8;
	[tilespmem:$0x10100] =	vst v63  }
0x78: {  	v3 =	vadd.s32 v1, v3  }
0x79: {  	[hbm4b:s5+s3] =	stream.indirect_vreg.scatter [tilespmem:s16], [sflag:$0x5], $0x80, v4, vm0, $0xb8;
	[tilespmem:$0x10100] =	vst v63  }
0x7a: {  	_ = 	snop  }
0x7b: {  	[hbm4b:s6+s3] =	stream.indirect_vreg.scatter [tilespmem:s17], [sflag:$0x5], $0x80, v4, vm0, $0xb8;
	[tilespmem:$0x10100] =	vst v63  }
0x7c: {  	_ = 	snop  }
0x7d: {  	[hbm4b:s2+s3] =	stream.indirect_vreg.scatter [tilespmem:s18], [sflag:$0x5], $0x80, v3, vm0, $0xb8;
	[tilespmem:$0x10100] =	vst v63  }
0x7e: {  	_ = 	snop  }
0x7f: {  	[hbm4b:s4+s3] =	stream.indirect_vreg.scatter [tilespmem:s19], [sflag:$0x5], $0x80, v3, vm0, $0xb8;
	[tilespmem:$0x10100] =	vst v63  }
0x80: {  	_ = 	snop  }
0x81: {  	[hbm4b:s5+s3] =	stream.indirect_vreg.scatter [tilespmem:s20], [sflag:$0x5], $0x80, v3, vm0, $0xb8;
	[tilespmem:$0x10100] =	vst v63  }
0x82: {  	_ = 	snop  }
0x83: {  	[hbm4b:s6+s3] =	stream.indirect_vreg.scatter [tilespmem:s21], [sflag:$0x5], $0x80, v3, vm0, $0xb8;
	[tilespmem:$0x10100] =	vst v63  }
0x84: {  	v3 =	vld [tilespmem:$0x30];
	_ =	sdelay $0x4  }
0x85: {  	v63 =	vshll.u32 v3, $0x3  }
0x86: {  	v3 =	vand.u32 $0x7, v3;
	v4 =	vand.u32 $0xFFFFFFC0, v63  }
0x87: {  	v3 =	vor.u32 v3, v4  }
0x88: {  	v4 =	vperm.xlane v3, v0;
	_ =	sdelay $0x1  }
0x89: {  	v4 =	vadd.s32 v1, v4;
	_ =	sdelay $0x4  }
0x8a: {  	[hbm4b:s2+s3] =	stream.indirect_vreg.scatter [tilespmem:s22], [sflag:$0x5], $0x80, v4, vm0, $0xb8;
	[tilespmem:$0x10100] =	vst v63  }
0x8b: {  	v3 =	vperm.xlane v3, v2  }
0x8c: {  	[hbm4b:s4+s3] =	stream.indirect_vreg.scatter [tilespmem:s23], [sflag:$0x5], $0x80, v4, vm0, $0xb8;
	[tilespmem:$0x10100] =	vst v63  }
0x8d: {  	v3 =	vadd.s32 v1, v3  }
0x8e: {  	[hbm4b:s5+s3] =	stream.indirect_vreg.scatter [tilespmem:s24], [sflag:$0x5], $0x80, v4, vm0, $0xb8;
	[tilespmem:$0x10100] =	vst v63  }
0x8f: {  	_ = 	snop  }
0x90: {  	[hbm4b:s6+s3] =	stream.indirect_vreg.scatter [tilespmem:s25], [sflag:$0x5], $0x80, v4, vm0, $0xb8;
	[tilespmem:$0x10100] =	vst v63  }
0x91: {  	_ = 	snop  }
0x92: {  	[hbm4b:s2+s3] =	stream.indirect_vreg.scatter [tilespmem:s26], [sflag:$0x5], $0x80, v3, vm0, $0xb8;
	[tilespmem:$0x10100] =	vst v63  }
0x93: {  	_ = 	snop  }
0x94: {  	[hbm4b:s4+s3] =	stream.indirect_vreg.scatter [tilespmem:s28], [sflag:$0x5], $0x80, v3, vm0, $0xb8;
	[tilespmem:$0x10100] =	vst v63  }
0x95: {  	_ = 	snop  }
0x96: {  	[hbm4b:s5+s3] =	stream.indirect_vreg.scatter [tilespmem:s29], [sflag:$0x5], $0x80, v3, vm0, $0xb8;
	[tilespmem:$0x10100] =	vst v63  }
0x97: {  	_ = 	snop  }
0x98: {  	[hbm4b:s6+s3] =	stream.indirect_vreg.scatter [tilespmem:s30], [sflag:$0x5], $0x80, v3, vm0, $0xb8;
	[tilespmem:$0x10100] =	vst v63  }
0x99: {  	p0 =	sne.s32 s7, $0x1;
	_ =	swait.ge [sflag:s31], $0x40  }
.Ltmp0:
0x9a: {  	[sflag:s31] =	ssyncset.done $0x0;
	(pc) =	sbr.rel @p0 .LBB2_1-.Ltmp0, $4  }
0x9b: {  	[sflag:s31] =	ssyncadd.s32 $0xFFFFFFC0  }
0x9c: {  	_ =	swait.ge [sflag:s1], $0x10000  }
0x9d: {  	[sflag:s1] =	ssyncset.done $0x0  }
0x9e: {  	s7 =	sadd.s32 $0xFFFFFFFF, s7;
	[sflag:s1] =	ssyncadd.s32 $0xFFFF0000  }
0x9f: {  	_ =	sfence.sel $0x180000  }
0xa0: {  	[bflag:$0x0] =	sbarrier.arrive $0xFFFF  }
0xa1: {  	_ =	strace $0x90000047  }
0xa2: {  	s0 =	stileid.u32;
	[bflag:$0x2] =	sbarrier.arrive $0xFFFF  }
0xa3: {  	p0 =	sne.s32 s0, $0x0;
	s0 =	rddreg [dreg:$0x3]  }
0xa4: {  	s0 =	sadd.s32 @!p0 $0x100000, s0  }
0xa5: {  	[sflag:s0] =	ssyncadd.tile.s32 @!p0 $0x1;
	_ =	shalt  }
.Lfunc_end2:
_tile_overlayer_lowered:
.L_overlay_start_2:
0xa6: {  	(tag) =	ssettag $0x2  }
0xa7: {  	s0 =	rddreg [dreg:$0x0];
	s2 =	stileid.u32  }
0xa8: {  	s1 =	rddreg [dreg:$0x1];
	p0 =	sne.s32 s2, $0x0  }
0xa9: {  	s3 =	rddreg [dreg:$0x2];
	[bflag:$0x3] =	sbarrier.arrive $0xFFFF;
	s2 =	simm.s32 @!p0 $0x1C06  }
0xaa: {  	[timem:s3], [sflag:s2] =	dma.local @!p0 [hbm:s0], s1  }
0xab: {  	s0 =	simm.s32 @!p0 $0x6  }
0xac: {  	_ =	swait.ge @!p0 [sflag:s0], s1  }
0xad: {  	s1 =	ssub.s32 @!p0 $0x0, s1;
	[sflag:s0] =	ssyncset.done @!p0 $0x0  }
0xae: {  	[sflag:s0] =	ssyncadd.s32 @!p0 s1  }
0xaf: {  	[bflag:$0x3] =	sbarrier.arrive $0xFFFF  }
0xb0: {  	_ =	shalt  }

// kernel: kernel.9.cloned.1.call-start
scs
__scs_entry_jumppad:
0x0: {  	(pc) =	sbr.rel $0x88, $3  }
0x1: {  	(tag) =	ssettag $0x0;
	lr =	simm.s32 $0x1  }
0x2: {  	[smem:$0x3F96] =	sst lr;
	_ =	strace $0xD0000000  }
0x3: {  	_ = 	snop  }
0x4: {  	_ = 	snop  }
0x5: {  	_ = 	snop  }
0x6: {  	_ = 	snop  }
0x7: {  	_ = 	snop  }
__scs_overlays_trampoline_lowered:
0x8: {  	[smem:$0x3FA5] =	sst s0  }
0x9: {  	[smem:$0x3FA6] =	sst s1  }
0xa: {  	[smem:$0x3FA7] =	sst s2  }
0xb: {  	[smem:$0x3FA8] =	sst s3  }
0xc: {  	[smem:$0x3FA9] =	sst s4  }
0xd: {  	[smem:$0x3FAA] =	sst s5  }
0xe: {  	[smem:$0x3FAB] =	sst s6  }
0xf: {  	[smem:$0x3FAC] =	sst s7  }
0x10: {  	[smem:$0x3FAD] =	sst s8  }
0x11: {  	[smem:$0x3FAE] =	sst s9;
	s0 =	simm.s32 @!p0 $0x0  }
0x12: {  	s1 =	sld [smem:$0x3F94];
	s0 =	simm.s32 @p0 $0x1  }
0x13: {  	[smem:$0x3FAF] =	sst s0;
	s0 =	simm.s32 @!p1 $0x0  }
0x14: {  	s2 =	sld [smem:$0x3F93];
	s0 =	simm.s32 @p1 $0x1  }
0x15: {  	[smem:$0x3FB0] =	sst s0;
	s0 =	simm.s32 @!p2 $0x0  }
0x16: {  	s3 =	sld [smem:$0x3FDB];
	s0 =	simm.s32 @p2 $0x1  }
0x17: {  	s4 =	simm.s32 $0x1BF5;
	[smem:$0x3FB2] =	sst s0  }
0x18: {  	s0 =	sld [smem:$0x3F95];
	_ =	swait.ge [sflag:s4], $0x0  }
0x19: {  	s7 =	sld [smem:$0x3F96]  }
0x1a: {  	s8 =	sadd.s32 $0xFFFFE003, lr  }
0x1b: {  	s9 =	sadd.s32 $0xFFFFFEF7, lr;
	s5 =	simm.s32 $0xFFFFFFFF;
	p2 =	slt.u32 s8, $0xFFFFF086  }
0x1c: {  	p1 =	slt.u32 s9, $0xF7A;
	s5 =	simm.s32 @!p2 $0x0  }
0x1d: {  	s5 =	simm.s32 @p1 $0x1;
	p0 =	seq.s32 s7, s2  }
0x1e: {  	s7 =	smul.u32 @!p0 $0xF7A, s2;
	p2 =	seq.s32 @!p0 s5, $0x0  }
0x1f: {  	s9 =	smul.u32 $0xF7A, s1;
	s8 =	simm.s32 @!p0 $0x1BF5;
	p2 =	por !p2, p0  }
0x20: {  	[sflag:s8] =	ssyncset.s32 @!p0 $0xFFFFF086;
	s6 =	sadd.s32 @!p0 s3, s7;
	s7 =	simm.s32 @!p0 $0x108  }
0x21: {  	s3 =	sadd.s32 s3, s9;
	s6 =	sadd.s32 @!p0 $0x88, s6;
	s7 =	simm.s32 @p2 $0x1082  }
0x22: {  	[simem:s7], [sflag:s8] =	dma.local @!p0 [hbm:s6], $0xF7A  }
0x23: {  	s9 =	sor.u32 $0xD0000000, s2;
	s6 =	simm.s32 $0x108;
	_ =	swait.ge @!p0 [sflag:s8], $0x0  }
0x24: {  	s3 =	sadd.s32 $0x88, s3;
	s6 =	simm.s32 @!p1 $0x1082;
	[sflag:s4] =	ssyncset.s32 $0xFFFFF086  }
0x25: {  	[simem:s6], [sflag:s4] =	dma.local [hbm:s3], $0xF7A  }
0x26: {  	[smem:$0x3F96] =	sst s1;
	(tag) =	ssettag s2;
	_ =	strace s9  }
0x27: {  	s1 =	sld [smem:$0x3FA6]  }
0x28: {  	s2 =	sld [smem:$0x3FA7]  }
0x29: {  	s4 =	sld [smem:$0x3FA9]  }
0x2a: {  	p0 =	seq.s32 s5, $0x0;
	s5 =	sld [smem:$0x3FAA]  }
0x2b: {  	s6 =	sld [smem:$0x3FAB]  }
0x2c: {  	s7 =	sld [smem:$0x3FAC]  }
0x2d: {  	s3 =	simm.s32 $0x108;
	s8 =	sld [smem:$0x3FAD]  }
0x2e: {  	s3 =	simm.s32 @!p0 $0x1082;
	s9 =	sld [smem:$0x3FAE]  }
0x2f: {  	lr =	sadd.s32 s0, s3;
	s0 =	sld [smem:$0x3FA5]  }
0x30: {  	s3 =	sld [smem:$0x3FA8]  }
0x31: {  	[smem:$0x3FB1] =	sst s10  }
0x32: {  	s10 =	sld [smem:$0x3FAF];
	_ =	sdelay $0x3  }
0x33: {  	p0 =	seq.s32 s10, $0x1;
	s10 =	sld [smem:$0x3FB1];
	_ =	sdelay $0x3  }
0x34: {  	[smem:$0x3FB1] =	sst s10  }
0x35: {  	s10 =	sld [smem:$0x3FB0];
	_ =	sdelay $0x3  }
0x36: {  	p1 =	seq.s32 s10, $0x1;
	s10 =	sld [smem:$0x3FB1];
	_ =	sdelay $0x3  }
0x37: {  	[smem:$0x3FB1] =	sst s10  }
0x38: {  	s10 =	sld [smem:$0x3FB2]  }
0x39: {  	_ = 	snop;
	(pc) =	sbr.ind lr, $3  }
0x3a: {  	_ = 	snop  }
0x3b: {  	_ = 	snop  }
0x3c: {  	p2 =	seq.s32 s10, $0x1;
	s10 =	sld [smem:$0x3FB1]  }
0x3d: {  	_ =	shalt  }
0x3e: {  	_ =	shalt  }
0x3f: {  	_ =	shalt  }
0x40: {  	_ =	shalt  }
0x41: {  	_ =	shalt  }
0x42: {  	_ =	shalt  }
0x43: {  	_ =	shalt  }
0x44: {  	_ =	shalt  }
0x45: {  	_ =	shalt  }
0x46: {  	_ =	shalt  }
0x47: {  	_ =	shalt  }
0x48: {  	_ =	shalt  }
0x49: {  	_ =	shalt  }
0x4a: {  	_ =	shalt  }
0x4b: {  	_ =	shalt  }
0x4c: {  	_ =	shalt  }
0x4d: {  	_ =	shalt  }
0x4e: {  	_ =	shalt  }
0x4f: {  	_ =	shalt  }
0x50: {  	_ =	shalt  }
0x51: {  	_ =	shalt  }
0x52: {  	_ =	shalt  }
0x53: {  	_ =	shalt  }
0x54: {  	_ =	shalt  }
0x55: {  	_ =	shalt  }
0x56: {  	_ =	shalt  }
0x57: {  	_ =	shalt  }
0x58: {  	_ =	shalt  }
0x59: {  	_ =	shalt  }
0x5a: {  	_ =	shalt  }
0x5b: {  	_ =	shalt  }
0x5c: {  	_ =	shalt  }
0x5d: {  	_ =	shalt  }
0x5e: {  	_ =	shalt  }
0x5f: {  	_ =	shalt  }
0x60: {  	_ =	shalt  }
0x61: {  	_ =	shalt  }
0x62: {  	_ =	shalt  }
0x63: {  	_ =	shalt  }
0x64: {  	_ =	shalt  }
0x65: {  	_ =	shalt  }
0x66: {  	_ =	shalt  }
0x67: {  	_ =	shalt  }
0x68: {  	_ =	shalt  }
0x69: {  	_ =	shalt  }
0x6a: {  	_ =	shalt  }
0x6b: {  	_ =	shalt  }
0x6c: {  	_ =	shalt  }
0x6d: {  	_ =	shalt  }
0x6e: {  	_ =	shalt  }
0x6f: {  	_ =	shalt  }
0x70: {  	_ =	shalt  }
0x71: {  	_ =	shalt  }
0x72: {  	_ =	shalt  }
0x73: {  	_ =	shalt  }
0x74: {  	_ =	shalt  }
0x75: {  	_ =	shalt  }
0x76: {  	_ =	shalt  }
0x77: {  	_ =	shalt  }
0x78: {  	_ =	shalt  }
0x79: {  	_ =	shalt  }
0x7a: {  	_ =	shalt  }
0x7b: {  	_ =	shalt  }
0x7c: {  	_ =	shalt  }
0x7d: {  	_ =	shalt  }
0x7e: {  	_ =	shalt  }
0x7f: {  	_ =	shalt  }
0x80: {  	_ =	shalt  }
0x81: {  	_ =	shalt  }
0x82: {  	_ =	shalt  }
0x83: {  	_ =	shalt  }
0x84: {  	_ =	shalt  }
0x85: {  	_ =	shalt  }
0x86: {  	_ =	shalt  }
0x87: {  	_ =	shalt  }
.Lfunc_end0:
.L_simem_size_0:
called_computation.1_lowered:
.L_overlay_start_0:
0x88: {  	s2 =	sld [smem:$0x3FD9]  }
0x89: {  	s3 =	sld [smem:$0x3FFE];
	_ =	sdelay $0x1  }
0x8a: {  	s1 =	srdreg.scid  }
0x8b: {  	s0 =	sand.u32 $0x1, s1  }
0x8c: {  	s17 =	sshll.u32 s0, $0xA;
	s2 =	sadd.s32 s3, s2  }
0x8d: {  	s2 =	sadd.s32 s2, s17  }
0x8e: {  	[smem:$0x3FBD] =	sst s2  }
0x8f: {  	_ = 	snop  }
0x90: {  	s2 =	sld [smem:$0x3FD0];
	(tm) =	ssettm $0x1  }
0x91: {  	s18 =	sld [smem:$0x3FFB];
	_ =	sdelay $0x3  }
0x92: {  	_ =	strace s18  }
0x93: {  	s3 =	sld [smem:$0x3FFC];
	_ =	sdelay $0x3  }
0x94: {  	_ =	strace s3  }
0x95: {  	s3 =	sld [smem:$0x3FFD];
	_ =	sdelay $0x3  }
0x96: {  	_ =	strace s3  }
0x97: {  	_ =	strace $0x8FFFFFFF  }
0x98: {  	s19 =	sld [smem:$0x3FDB];
	_ =	sdelay $0x1  }
0x99: {  	s4 =	simm.s32 $_scs_section_size  }
0x9a: {  	s5 =	simm.s32 $_size__tile_overlayer_lowered;
	s6 =	simm.s32 $_tile_overlayer_lowered  }
0x9b: {  	s22 =	simm.s32 $0x1BFF;
	s21 =	sshll.u32 s6, $0x1;
	s3 =	sadd.s32 s4, s19  }
0x9c: {  	s7 =	simm.s32 $0x0;
	s20 =	sshll.u32 s5, $0x1;
	s5 =	sadd.s32 s21, s3  }
0x9d: {  	[timem:s7], [sflag:s22] =	dma.local [hbm:s5], s20  }
0x9e: {  	_ =	swait.ge [sflag:s22], s20  }
0x9f: {  	s4 =	ssub.s32 $0x0, s20;
	[sflag:s22] =	ssyncset.done $0x0  }
0xa0: {  	[sflag:s22] =	ssyncadd.s32 s4;
	_ =	sdelay $0x1  }
0xa1: {  	s23 =	simm.s32 $0x1B8B  }
0xa2: {  	_ =	swait.ge [sflag:s23], $0x1  }
0xa3: {  	[sflag:s23] =	ssyncset.done $0x0  }
0xa4: {  	s25 =	simm.s32 $0x1B8E;
	s24 =	sld [smem:$0x3FFE];
	[sflag:s23] =	ssyncadd.s32 $0xFFFFFFFF  }
0xa5: {  	s26 =	simm.s32 $execute0_lowered;
	[smem:$0x3FD2] =	sst s25  }
0xa6: {  	s5 =	sshll.u32 s26, $0x1;
	_ =	strace $0x80000049;
	[dreg:$0x1] =	wrdreg $0xFFFFFFFF  }
0xa7: {  	s28 =	simm.s32 $_size_execute0_lowered;
	s3 =	sadd.s32 s3, s5;
	[dreg:$0x0] =	wrdreg $0x0  }
0xa8: {  	s5 =	sshll.u32 s28, $0x1;
	[dreg:$0x2] =	wrdreg s3  }
0xa9: {  	[dreg:$0x3] =	wrdreg s5  }
0xaa: {  	[dreg:$0x4] =	wrdreg $0xC0  }
0xab: {  	_ =	task [dreg:s7], $0x5FFFF  }
0xac: {  	[dreg:$0x1] =	wrdreg $0xFFFFFFFF  }
0xad: {  	[dreg:$0x0] =	wrdreg $0x60  }
0xae: {  	[dreg:$0x2] =	wrdreg s24  }
0xaf: {  	[dreg:$0x3] =	wrdreg s2  }
0xb0: {  	[dreg:$0x4] =	wrdreg $0x9  }
0xb1: {  	_ =	task.clear_ibuf [dreg:s7], $0x5FFFF;
	_ =	strace $0x90000049  }
0xb2: {  	s29 =	simm.s32 $0x9;
	_ =	strace $0x8000004B  }
0xb3: {  	_ =	swait.ge [sflag:s29], $0x1  }
0xb4: {  	[sflag:s29] =	ssyncadd.s32 $0xFFFFFFFF  }
0xb5: {  	_ =	strace $0x9000004B  }
0xb6: {  	_ =	sfence  }
0xb7: {  	s30 =	sld [smem:$0x0];
	_ =	sdelay $0x2  }
0xb8: {  	s31 =	sshll.u32 s1, $0xD;
	s1 =	sshrl.u32 s1, $0x2  }
0xb9: {  	s3 =	sand.u32 $0x4000, s31;
	s1 =	sadd.s32 s1, s30  }
0xba: {  	s0 =	sor.u32 s3, s0;
	s1 =	sshll.u32 s1, $0x11  }
0xbb: {  	s0 =	sor.u32 s1, s0  }
0xbc: {  	s0 =	sadd.s32 $0x8F2B, s0  }
0xbd: {  	[sflag:s0] =	ssyncadd.remote.s32 $0x1  }
0xbe: {  	_ =	sfence.sel $0xFFFF  }
0xbf: {  	[dreg:$0x0] =	wrdreg $0xFFFFFFFF;
	(pc) =	sbr.abs _section_cstart, $3  }
0xc0: {  	[dreg:$0x1] =	wrdreg $0xFFFFFFFF  }
0xc1: {  	_ =	task.clear_ibuf [dreg:s7], $0x2FFFF;
	_ =	strace $0x9FFFFFFF  }
0xc2: {  	(tm) =	ssettm $0x7FFFFFFF  }
0xc3: {  	_ =	shalt  }
tec
execute0_lowered:
.L_overlay_start_1:
0x0: {  	(tag) =	ssettag $0x1  }
0x1: {  	s1 =	srdreg.scid  }
0x2: {  	s0 =	stileid.u32;
	s6 =	rddreg [dreg:$0x0]  }
0x3: {  	s4 =	rddreg [dreg:$0x1];
	s18 =	simm.s32 $0x880;
	s19 =	simm.s32 $0x1080  }
0x4: {  	s20 =	simm.s32 $0x1880;
	s22 =	simm.s32 $0x2080;
	s23 =	simm.s32 $0x2880  }
0x5: {  	s7 =	simm.s32 $0x3080;
	s24 =	simm.s32 $0x3880;
	s8 =	simm.s32 $0x4080  }
0x6: {  	s25 =	simm.s32 $0x4880;
	s26 =	simm.s32 $0x5080;
	s1 =	sand.u32 $0x1, s1  }
0x7: {  	s9 =	simm.s32 $0x80;
	s2 =	sshll.u32 s0, $0x7;
	s3 =	sshll.u32 s1, $0x6  }
0x8: {  	s11 =	simm.s32 $0x6080;
	s3 =	sor.u32 s3, s2;
	s2 =	simm.s32 $0x0  }
0x9: {  	s12 =	simm.s32 $0x6880;
	s13 =	simm.s32 $0x7080;
	[smem:$0x7FF] =	sst s2  }
0xa: {  	s14 =	simm.s32 $0x7880;
	_ =	strace $0x8000004A;
	[dreg:$0x5] =	wrdreg s18  }
0xb: {  	s15 =	simm.s32 $0x8080;
	s16 =	simm.s32 $0x8880;
	[dreg:$0x6] =	wrdreg s19  }
0xc: {  	s17 =	simm.s32 $0x9080;
	s28 =	simm.s32 $0xE080;
	[dreg:$0x7] =	wrdreg s20  }
0xd: {  	s29 =	simm.s32 $0xE880;
	s30 =	simm.s32 $0xF080;
	[dreg:$0x8] =	wrdreg s22  }
0xe: {  	s31 =	simm.s32 $0xF880;
	s1 =	ssub.s32 $0x2, s1;
	[dreg:$0x9] =	wrdreg s23  }
0xf: {  	s21 =	sshrl.u32 s1, $0x1;
	s5 =	sshrl.u32 s3, $0x3;
	[dreg:$0xa] =	wrdreg s7  }
0x10: {  	s3 =	sshll.u32 s3, $0x7;
	s1 =	ssub.s32 s1, s21;
	[dreg:$0xb] =	wrdreg s24  }
0x11: {  	s21 =	simm.s32 $0xB080;
	s5 =	sadd.s32 s5, s6;
	[dreg:$0xc] =	wrdreg s8  }
0x12: {  	s3 =	sadd.s32 s4, s3;
	s4 =	sadd.s32 $0x1700, s6;
	[dreg:$0xd] =	wrdreg s25  }
0x13: {  	s7 =	smax.u32 s1, $0x1;
	s8 =	simm.s32 $0x2;
	[dreg:$0xe] =	wrdreg s26  }
0x14: {  	s18 =	simm.s32 $0x9880;
	s19 =	simm.s32 $0xA080;
	s20 =	simm.s32 $0xA880  }
0x15: {  	s22 =	simm.s32 $0xB880;
	s23 =	simm.s32 $0xC080;
	s24 =	simm.s32 $0xC880  }
0x16: {  	v2 =	vlaneseq.u32;
	s25 =	simm.s32 $0xD080;
	s26 =	simm.s32 $0xD880;
	s1 =	simm.s32 $0x1  }
0x17: {  	vm0 =	vmmov $0xffff;
	v1 =	vshrl.u32 v2, $0x3;
	s5 =	sadd.s32 $0x1400, s5;
	[dreg:$0x4] =	wrdreg s3;
	s3 =	sadd.s32 $0x1600, s6  }
0x18: {  	v0 =	vand.u32 $0x7, v2;
	v2 =	vor.u32 $0x8, v2;
	v1 =	vmul.u32 $0x8, v1;
	[dreg:$0x3] =	wrdreg s5;
	s5 =	sadd.s32 $0x1800, s6;
	s6 =	sadd.s32 $0x1900, s6  }
.LBB2_1:
0x19: {  	s0 =	rddreg [dreg:$0x3]  }
0x1a: {  	[tilespmem:s2], [sflag:$0x2] =	stream.linear.gather [hbm4b:s0+s2], $0x40, $0x38;
	[tilespmem:$0x10080] =	vst v63  }
0x1b: {  	_ =	swait.ge [sflag:s8], $0x40  }
0x1c: {  	[sflag:s8] =	ssyncset.done $0x0  }
0x1d: {  	[sflag:s8] =	ssyncadd.s32 $0xFFFFFFC0  }
0x1e: {  	v3 =	vld [tilespmem:$0x0];
	_ =	sdelay $0x4  }
0x1f: {  	v4 =	vshll.u32 v3, $0x3  }
0x20: {  	v3 =	vand.u32 $0x7, v3;
	v4 =	vand.u32 $0xFFFFFFC0, v4  }
0x21: {  	v3 =	vor.u32 v3, v4  }
0x22: {  	v4 =	vperm.xlane v3, v0;
	_ =	sdelay $0x1  }
0x23: {  	v4 =	vadd.s32 v1, v4;
	_ =	sdelay $0x4  }
0x24: {  	[tilespmem:s9], [sflag:$0x1] =	stream.indirect_vreg.gather [hbm4b:s3+s2], $0x80, v4, vm0, $0xb8;
	[tilespmem:$0x10080] =	vst v63  }
0x25: {  	s0 =	rddreg [dreg:$0x5];
	v3 =	vperm.xlane v3, v2  }
0x26: {  	[tilespmem:s0], [sflag:$0x1] =	stream.indirect_vreg.gather [hbm4b:s4+s2], $0x80, v4, vm0, $0xb8;
	[tilespmem:$0x10080] =	vst v63  }
0x27: {  	s10 =	rddreg [dreg:$0x6];
	v3 =	vadd.s32 v1, v3  }
0x28: {  	[tilespmem:s10], [sflag:$0x1] =	stream.indirect_vreg.gather [hbm4b:s5+s2], $0x80, v4, vm0, $0xb8;
	[tilespmem:$0x10080] =	vst v63  }
0x29: {  	s0 =	rddreg [dreg:$0x7]  }
0x2a: {  	[tilespmem:s0], [sflag:$0x1] =	stream.indirect_vreg.gather [hbm4b:s6+s2], $0x80, v4, vm0, $0xb8;
	[tilespmem:$0x10080] =	vst v63  }
0x2b: {  	s10 =	rddreg [dreg:$0x8]  }
0x2c: {  	[tilespmem:s10], [sflag:$0x1] =	stream.indirect_vreg.gather [hbm4b:s3+s2], $0x80, v3, vm0, $0xb8;
	[tilespmem:$0x10080] =	vst v63  }
0x2d: {  	s0 =	rddreg [dreg:$0x9]  }
0x2e: {  	[tilespmem:s0], [sflag:$0x1] =	stream.indirect_vreg.gather [hbm4b:s4+s2], $0x80, v3, vm0, $0xb8;
	[tilespmem:$0x10080] =	vst v63  }
0x2f: {  	s10 =	rddreg [dreg:$0xa]  }
0x30: {  	[tilespmem:s10], [sflag:$0x1] =	stream.indirect_vreg.gather [hbm4b:s5+s2], $0x80, v3, vm0, $0xb8;
	[tilespmem:$0x10080] =	vst v63  }
0x31: {  	s0 =	rddreg [dreg:$0xb]  }
0x32: {  	[tilespmem:s0], [sflag:$0x1] =	stream.indirect_vreg.gather [hbm4b:s6+s2], $0x80, v3, vm0, $0xb8;
	[tilespmem:$0x10080] =	vst v63  }
0x33: {  	v3 =	vld [tilespmem:$0x10];
	_ =	sdelay $0x4  }
0x34: {  	v61 =	vshll.u32 v3, $0x3  }
0x35: {  	v3 =	vand.u32 $0x7, v3;
	v4 =	vand.u32 $0xFFFFFFC0, v61  }
0x36: {  	v3 =	vor.u32 v3, v4  }
0x37: {  	v4 =	vperm.xlane v3, v0;
	_ =	sdelay $0x1  }
0x38: {  	v4 =	vadd.s32 v1, v4;
	_ =	sdelay $0x3  }
0x39: {  	s0 =	rddreg [dreg:$0xc]  }
0x3a: {  	[tilespmem:s0], [sflag:$0x1] =	stream.indirect_vreg.gather [hbm4b:s3+s2], $0x80, v4, vm0, $0xb8;
	[tilespmem:$0x10080] =	vst v63  }
0x3b: {  	s10 =	rddreg [dreg:$0xd];
	v3 =	vperm.xlane v3, v2  }
0x3c: {  	[tilespmem:s10], [sflag:$0x1] =	stream.indirect_vreg.gather [hbm4b:s4+s2], $0x80, v4, vm0, $0xb8;
	[tilespmem:$0x10080] =	vst v63  }
0x3d: {  	v3 =	vadd.s32 v1, v3;
	s0 =	rddreg [dreg:$0xe]  }
0x3e: {  	[tilespmem:s0], [sflag:$0x1] =	stream.indirect_vreg.gather [hbm4b:s5+s2], $0x80, v4, vm0, $0xb8;
	[tilespmem:$0x10080] =	vst v63  }
0x3f: {  	s10 =	simm.s32 $0x5880  }
0x40: {  	[tilespmem:s10], [sflag:$0x1] =	stream.indirect_vreg.gather [hbm4b:s6+s2], $0x80, v4, vm0, $0xb8;
	[tilespmem:$0x10080] =	vst v63  }
0x41: {  	_ = 	snop  }
0x42: {  	[tilespmem:s11], [sflag:$0x1] =	stream.indirect_vreg.gather [hbm4b:s3+s2], $0x80, v3, vm0, $0xb8;
	[tilespmem:$0x10080] =	vst v63  }
0x43: {  	_ = 	snop  }
0x44: {  	[tilespmem:s12], [sflag:$0x1] =	stream.indirect_vreg.gather [hbm4b:s4+s2], $0x80, v3, vm0, $0xb8;
	[tilespmem:$0x10080] =	vst v63  }
0x45: {  	_ = 	snop  }
0x46: {  	[tilespmem:s13], [sflag:$0x1] =	stream.indirect_vreg.gather [hbm4b:s5+s2], $0x80, v3, vm0, $0xb8;
	[tilespmem:$0x10080] =	vst v63  }
0x47: {  	_ = 	snop  }
0x48: {  	[tilespmem:s14], [sflag:$0x1] =	stream.indirect_vreg.gather [hbm4b:s6+s2], $0x80, v3, vm0, $0xb8;
	[tilespmem:$0x10080] =	vst v63  }
0x49: {  	v3 =	vld [tilespmem:$0x20];
	_ =	sdelay $0x4  }
0x4a: {  	v62 =	vshll.u32 v3, $0x3  }
0x4b: {  	v3 =	vand.u32 $0x7, v3;
	v4 =	vand.u32 $0xFFFFFFC0, v62  }
0x4c: {  	v3 =	vor.u32 v3, v4  }
0x4d: {  	v4 =	vperm.xlane v3, v0;
	_ =	sdelay $0x1  }
0x4e: {  	v4 =	vadd.s32 v1, v4;
	_ =	sdelay $0x4  }
0x4f: {  	[tilespmem:s15], [sflag:$0x1] =	stream.indirect_vreg.gather [hbm4b:s3+s2], $0x80, v4, vm0, $0xb8;
	[tilespmem:$0x10080] =	vst v63  }
0x50: {  	v3 =	vperm.xlane v3, v2  }
0x51: {  	[tilespmem:s16], [sflag:$0x1] =	stream.indirect_vreg.gather [hbm4b:s4+s2], $0x80, v4, vm0, $0xb8;
	[tilespmem:$0x10080] =	vst v63  }
0x52: {  	v3 =	vadd.s32 v1, v3  }
0x53: {  	[tilespmem:s17], [sflag:$0x1] =	stream.indirect_vreg.gather [hbm4b:s5+s2], $0x80, v4, vm0, $0xb8;
	[tilespmem:$0x10080] =	vst v63  }
0x54: {  	_ = 	snop  }
0x55: {  	[tilespmem:s18], [sflag:$0x1] =	stream.indirect_vreg.gather [hbm4b:s6+s2], $0x80, v4, vm0, $0xb8;
	[tilespmem:$0x10080] =	vst v63  }
0x56: {  	_ = 	snop  }
0x57: {  	[tilespmem:s19], [sflag:$0x1] =	stream.indirect_vreg.gather [hbm4b:s3+s2], $0x80, v3, vm0, $0xb8;
	[tilespmem:$0x10080] =	vst v63  }
0x58: {  	_ = 	snop  }
0x59: {  	[tilespmem:s20], [sflag:$0x1] =	stream.indirect_vreg.gather [hbm4b:s4+s2], $0x80, v3, vm0, $0xb8;
	[tilespmem:$0x10080] =	vst v63  }
0x5a: {  	_ = 	snop  }
0x5b: {  	[tilespmem:s21], [sflag:$0x1] =	stream.indirect_vreg.gather [hbm4b:s5+s2], $0x80, v3, vm0, $0xb8;
	[tilespmem:$0x10080] =	vst v63  }
0x5c: {  	_ = 	snop  }
0x5d: {  	[tilespmem:s22], [sflag:$0x1] =	stream.indirect_vreg.gather [hbm4b:s6+s2], $0x80, v3, vm0, $0xb8;
	[tilespmem:$0x10080] =	vst v63  }
0x5e: {  	v3 =	vld [tilespmem:$0x30];
	_ =	sdelay $0x4  }
0x5f: {  	v63 =	vshll.u32 v3, $0x3  }
0x60: {  	v3 =	vand.u32 $0x7, v3;
	v4 =	vand.u32 $0xFFFFFFC0, v63  }
0x61: {  	v3 =	vor.u32 v3, v4  }
0x62: {  	v4 =	vperm.xlane v3, v0;
	_ =	sdelay $0x1  }
0x63: {  	v4 =	vadd.s32 v1, v4;
	_ =	sdelay $0x4  }
0x64: {  	[tilespmem:s23], [sflag:$0x1] =	stream.indirect_vreg.gather [hbm4b:s3+s2], $0x80, v4, vm0, $0xb8;
	[tilespmem:$0x10080] =	vst v63  }
0x65: {  	v3 =	vperm.xlane v3, v2  }
0x66: {  	[tilespmem:s24], [sflag:$0x1] =	stream.indirect_vreg.gather [hbm4b:s4+s2], $0x80, v4, vm0, $0xb8;
	[tilespmem:$0x10080] =	vst v63  }
0x67: {  	v3 =	vadd.s32 v1, v3  }
0x68: {  	[tilespmem:s25], [sflag:$0x1] =	stream.indirect_vreg.gather [hbm4b:s5+s2], $0x80, v4, vm0, $0xb8;
	[tilespmem:$0x10080] =	vst v63  }
0x69: {  	_ = 	snop  }
0x6a: {  	[tilespmem:s26], [sflag:$0x1] =	stream.indirect_vreg.gather [hbm4b:s6+s2], $0x80, v4, vm0, $0xb8;
	[tilespmem:$0x10080] =	vst v63  }
0x6b: {  	_ = 	snop  }
0x6c: {  	[tilespmem:s28], [sflag:$0x1] =	stream.indirect_vreg.gather [hbm4b:s3+s2], $0x80, v3, vm0, $0xb8;
	[tilespmem:$0x10080] =	vst v63  }
0x6d: {  	_ = 	snop  }
0x6e: {  	[tilespmem:s29], [sflag:$0x1] =	stream.indirect_vreg.gather [hbm4b:s4+s2], $0x80, v3, vm0, $0xb8;
	[tilespmem:$0x10080] =	vst v63  }
0x6f: {  	_ = 	snop  }
0x70: {  	[tilespmem:s30], [sflag:$0x1] =	stream.indirect_vreg.gather [hbm4b:s5+s2], $0x80, v3, vm0, $0xb8;
	[tilespmem:$0x10080] =	vst v63  }
0x71: {  	_ = 	snop  }
0x72: {  	[tilespmem:s31], [sflag:$0x1] =	stream.indirect_vreg.gather [hbm4b:s6+s2], $0x80, v3, vm0, $0xb8;
	[tilespmem:$0x10080] =	vst v63  }
0x73: {  	_ =	swait.ge [sflag:s1], $0x10000  }
0x74: {  	p0 =	sne.s32 s7, $0x1;
	[sflag:s1] =	ssyncset.done $0x0  }
.Ltmp0:
0x75: {  	s10 =	rddreg [dreg:$0x4];
	[sflag:s1] =	ssyncadd.s32 $0xFFFF0000;
	(pc) =	sbr.rel @p0 .LBB2_1-.Ltmp0, $4  }
0x76: {  	[hbm4b:s10+s2] =	stream.linear.scatter [tilespmem:s9], [sflag:$0x2], $0x10000, $0x38;
	[tilespmem:$0x10080] =	vst v63  }
0x77: {  	_ =	swait.ge [sflag:s8], $0x10000  }
0x78: {  	[sflag:s8] =	ssyncset.done $0x0  }
0x79: {  	s7 =	sadd.s32 $0xFFFFFFFF, s7;
	[sflag:s8] =	ssyncadd.s32 $0xFFFF0000  }
0x7a: {  	_ =	sfence.sel $0x180000  }
0x7b: {  	[bflag:$0x0] =	sbarrier.arrive $0xFFFF  }
0x7c: {  	_ =	strace $0x9000004A  }
0x7d: {  	s0 =	stileid.u32;
	[bflag:$0x2] =	sbarrier.arrive $0xFFFF  }
0x7e: {  	p0 =	sne.s32 s0, $0x0;
	s0 =	rddreg [dreg:$0x2]  }
0x7f: {  	s0 =	sadd.s32 @!p0 $0x100000, s0  }
0x80: {  	[sflag:s0] =	ssyncadd.tile.s32 @!p0 $0x1;
	_ =	shalt  }
.Lfunc_end2:
_tile_overlayer_lowered:
.L_overlay_start_2:
0x81: {  	(tag) =	ssettag $0x2  }
0x82: {  	s0 =	rddreg [dreg:$0x0];
	s2 =	stileid.u32  }
0x83: {  	s1 =	rddreg [dreg:$0x1];
	p0 =	sne.s32 s2, $0x0  }
0x84: {  	s3 =	rddreg [dreg:$0x2];
	[bflag:$0x3] =	sbarrier.arrive $0xFFFF;
	s2 =	simm.s32 @!p0 $0x1C02  }
0x85: {  	[timem:s3], [sflag:s2] =	dma.local @!p0 [hbm:s0], s1  }
0x86: {  	s0 =	simm.s32 @!p0 $0x2  }
0x87: {  	_ =	swait.ge @!p0 [sflag:s0], s1  }
0x88: {  	s1 =	ssub.s32 @!p0 $0x0, s1;
	[sflag:s0] =	ssyncset.done @!p0 $0x0  }
0x89: {  	[sflag:s0] =	ssyncadd.s32 @!p0 s1  }
0x8a: {  	[bflag:$0x3] =	sbarrier.arrive $0xFFFF  }
0x8b: {  	_ =	shalt  }

</sc_bundles>
